<compile_context>
chip_gen: v7x
topology: tpu7x:2x2x1
jax: 0.10.2.dev20260603
libtpu: 0.0.44.dev20260713+nightly
codegen_flags: <defaults>
</compile_context>

<pallas_src>
import functools

import jax
import jax.numpy as jnp
from jax import lax
from jax.experimental import pallas as pl
from jax.experimental.pallas import tpu as pltpu

NUM_CLASSES = 80
MAX_PER_IMG = 100
MASK_THR = 0.5
ORI_H = 512
ORI_W = 512
IN_HW = 128
MASKS_PER_STEP = 4
NEG_INF = float("-inf")
SLAB = 64
SLAB_STARTS = (0, 16, 48, 64)


def _topk_body(scores_ref, vals_ref, labels_ref, src_ref):
    b, n = scores_ref.shape
    scores0 = scores_ref[...]
    iota = lax.broadcasted_iota(jnp.int32, (b, n), 1)
    out_iota = lax.broadcasted_iota(jnp.int32, (b, 128), 1)

    def step(k, carry):
        scores, vals_acc, idx_acc = carry
        m = jnp.max(scores, axis=1, keepdims=True)
        cand = jnp.where(scores == m, iota, jnp.int32(2**30))
        idx = jnp.min(cand, axis=1, keepdims=True)
        vals_acc = jnp.where(out_iota == k, m, vals_acc)
        idx_acc = jnp.where(out_iota == k, idx, idx_acc)
        scores = jnp.where(iota == idx, NEG_INF, scores)
        return scores, vals_acc, idx_acc

    init = (
        scores0,
        jnp.zeros((b, 128), jnp.float32),
        jnp.zeros((b, 128), jnp.int32),
    )
    _, vals_acc, idx_acc = lax.fori_loop(0, MAX_PER_IMG, step, init)

    row = lax.broadcasted_iota(jnp.int32, (b, 128), 0)
    vals_ref[...] = vals_acc
    labels_ref[...] = idx_acc % NUM_CLASSES
    src_ref[...] = idx_acc // NUM_CLASSES + MAX_PER_IMG * row


def _split3(a):
    hi = a.astype(jnp.bfloat16)
    r1 = a - hi.astype(jnp.float32)
    mid = r1.astype(jnp.bfloat16)
    lo = (r1 - mid.astype(jnp.float32)).astype(jnp.bfloat16)
    return hi, mid, lo


def _upsample_body(src_ref, m0, m1, m2, m3, wt_ref, wv_ref, o_ref):
    s4 = jax.nn.sigmoid(
        jnp.concatenate([m0[0], m1[0], m2[0], m3[0]], axis=0)
    )
    hi, mid, lo = _split3(s4)
    wt = wt_ref[...]
    sh4 = (
        jnp.dot(hi, wt, preferred_element_type=jnp.float32)
        + jnp.dot(mid, wt, preferred_element_type=jnp.float32)
    ) + jnp.dot(lo, wt, preferred_element_type=jnp.float32)

    vhi, vmid, vlo = _split3(sh4)
    one = jnp.int32(1)
    zero = jnp.int32(0)
    for j in range(MASKS_PER_STEP):
        for r in range(4):
            base = j * IN_HW + SLAB_STARTS[r]
            wv = wv_ref[r * IN_HW : (r + 1) * IN_HW, :]
            acc = (
                jnp.dot(
                    wv,
                    vhi[base : base + SLAB, :],
                    preferred_element_type=jnp.float32,
                )
                + jnp.dot(
                    wv,
                    vmid[base : base + SLAB, :],
                    preferred_element_type=jnp.float32,
                )
            ) + jnp.dot(
                wv,
                vlo[base : base + SLAB, :],
                preferred_element_type=jnp.float32,
            )
            word = jnp.where(acc[:, :IN_HW] > MASK_THR, one, zero)
            for t in range(1, 4):
                blk = acc[:, t * IN_HW : (t + 1) * IN_HW]
                word = word | jnp.where(
                    blk > MASK_THR, jnp.int32(1 << (8 * t)), zero
                )
            o_ref[j, r * IN_HW : (r + 1) * IN_HW, :] = word


@jax.jit
def kernel(cls_scores, scaled_mask_preds):
    b, q, c = cls_scores.shape
    n = q * c
    n_pad = ((n + 511) // 512) * 512
    flat = cls_scores.reshape(b, n)
    flat = jnp.pad(flat, ((0, 0), (0, n_pad - n)), constant_values=NEG_INF)

    vals, labels, src = pl.pallas_call(
        _topk_body,
        out_shape=(
            jax.ShapeDtypeStruct((b, 128), jnp.float32),
            jax.ShapeDtypeStruct((b, 128), jnp.int32),
            jax.ShapeDtypeStruct((b, 128), jnp.int32),
        ),
    )(flat)

    scores_out = vals[:, :MAX_PER_IMG]
    labels_out = labels[:, :MAX_PER_IMG]
    src_flat = src[:, :MAX_PER_IMG].reshape(b * MAX_PER_IMG)

    w = jax.image.resize(
        jnp.eye(IN_HW, dtype=jnp.float32), (ORI_H, IN_HW), method="bilinear"
    ).astype(jnp.bfloat16)
    perm = jnp.arange(ORI_W).reshape(IN_HW, 4).T.reshape(ORI_W)
    wt_perm = w.T[:, perm]
    wv = jnp.concatenate(
        [
            w[r * IN_HW : (r + 1) * IN_HW, s : s + SLAB]
            for r, s in enumerate(SLAB_STARTS)
        ],
        axis=0,
    )
    masks_flat = scaled_mask_preds.reshape(b * q, IN_HW, IN_HW)

    n_sel = b * MAX_PER_IMG
    n_steps = n_sel // MASKS_PER_STEP
    mask_spec = lambda j: pl.BlockSpec(
        (1, IN_HW, IN_HW),
        lambda i, src, j=j: (src[MASKS_PER_STEP * i + j], 0, 0),
    )
    packed = pl.pallas_call(
        _upsample_body,
        grid_spec=pltpu.PrefetchScalarGridSpec(
            num_scalar_prefetch=1,
            grid=(n_steps,),
            in_specs=[
                mask_spec(0),
                mask_spec(1),
                mask_spec(2),
                mask_spec(3),
                pl.BlockSpec((IN_HW, ORI_W), lambda i, src: (0, 0)),
                pl.BlockSpec((ORI_H, SLAB), lambda i, src: (0, 0)),
            ],
            out_specs=pl.BlockSpec(
                (MASKS_PER_STEP, ORI_H, ORI_W // 4), lambda i, src: (i, 0, 0)
            ),
        ),
        out_shape=jax.ShapeDtypeStruct((n_sel, ORI_H, ORI_W // 4), jnp.int32),
    )(src_flat, masks_flat, masks_flat, masks_flat, masks_flat, wt_perm, wv)

    bin_bytes = lax.bitcast_convert_type(packed, jnp.uint8)
    bin_masks = bin_bytes.reshape(b, MAX_PER_IMG, ORI_H, ORI_W).view(jnp.bool_)
    return scores_out, bin_masks, labels_out

# --- scband reference (transcript-rebuilt; emitter-appended) ---
"""Pipeline reference for scband-knet-decoder-not-do-panoptic-63891933495898 (READ-ONLY COPY).

The authoritative reference and input builder live on the scoring server;
editing this copy changes nothing except your own understanding.
"""

import jax, jax.numpy as jnp
import numpy as np

NUM_CLASSES = 80
MAX_PER_IMG = 100
MASK_THR = 0.5
ORI_H = 512
ORI_W = 512


def setup_inputs(seed: int = 0) -> dict:
    key = jax.random.key(seed)
    k1, k2 = jax.random.split(key)
    cls_scores = jax.random.normal(k1, (4, 100, 80), dtype=jnp.float32)
    scaled_mask_preds = jax.random.normal(k2, (4, 100, 128, 128), dtype=jnp.float32)
    return {"cls_scores": cls_scores, "scaled_mask_preds": scaled_mask_preds}


def _per_img(cls_score, mask_pred):
    # cls_score: [num_queries, num_classes]; mask_pred: [num_queries, h, w]
    flat = cls_score.reshape(-1)
    scores_per_img, topk_indices = jax.lax.top_k(flat, MAX_PER_IMG)  # sorted=True
    mask_indices = topk_indices // NUM_CLASSES
    labels_per_img = topk_indices % NUM_CLASSES
    masks_per_img = jnp.take(mask_pred, mask_indices, axis=0)
    # rescale_masks: sigmoid then bilinear upsample (align_corners=False == half-pixel)
    seg_masks = jax.nn.sigmoid(masks_per_img)
    seg_masks = jax.image.resize(seg_masks, (MAX_PER_IMG, ORI_H, ORI_W), method="bilinear")
    bin_masks = seg_masks > MASK_THR
    return scores_per_img, bin_masks, labels_per_img


def reference(cls_scores, scaled_mask_preds):
    # Batched equivalent of the python per-image loop; results stacked over images.
    scores, masks, labels = jax.vmap(_per_img)(cls_scores, scaled_mask_preds)
    return scores, masks, labels

if __name__ == "__main__":
    import jax
    _d = setup_inputs()
    print(jax.jit(kernel)(*tuple(_d.values())))

</pallas_src>

<mosaic_0001>
module attributes {stable_mosaic.version = 14 : i64} {
  func.func @_topk_body(%arg0: memref<4x8192xf32, #tpu.memory_space<vmem>>, %arg1: memref<4x128xf32, #tpu.memory_space<vmem>>, %arg2: memref<4x128xi32, #tpu.memory_space<vmem>>, %arg3: memref<4x128xi32, #tpu.memory_space<vmem>>) attributes {dimension_semantics = [], scalar_prefetch = 0 : i64, scratch_operands = 0 : i64, tpu.core_type = #tpu.core_type<tc>} {
    %get3A = arith.constant 0 : index
    %get3A_0 = arith.constant 0 : index
    %get3A_1 = vector.load %arg0[%get3A, %get3A_0] : memref<4x8192xf32, #tpu.memory_space<vmem>>, vector<4x8192xf32>
    %iota3A = tpu.iota {dimensions = array<i32: 1>} : vector<4x8192xi32>
    %iota3A_2 = tpu.iota {dimensions = array<i32: 1>} : vector<4x128xi32>
    %broadcast_in_dim3A = arith.constant 0.000000e+00 : f32
    %broadcast_in_dim3A_3 = vector.broadcast %broadcast_in_dim3A : f32 to vector<4x128xf32>
    %broadcast_in_dim3A_4 = arith.constant 0 : i32
    %broadcast_in_dim3A_5 = vector.broadcast %broadcast_in_dim3A_4 : i32 to vector<4x128xi32>
    %scan3A = arith.constant 0 : i32
    %scan3A_6 = arith.constant 100 : i32
    %scan3A_7 = arith.addi %scan3A, %scan3A_6 : i32
    %scan3A_8 = arith.constant 1 : i32
    %scan3A_9:3 = scf.for %scan3A_65 = %scan3A to %scan3A_7 step %scan3A_8 iter_args(%scan3A_66 = %get3A_1, %scan3A_67 = %broadcast_in_dim3A_3, %scan3A_68 = %broadcast_in_dim3A_5) -> (vector<4x8192xf32>, vector<4x128xf32>, vector<4x128xi32>)  : i32 {
      %reduce_max3A = arith.constant dense<0xFF800000> : vector<4xf32>
      %reduce_max3A_69 = vector.multi_reduction <maximumf>, %scan3A_66, %reduce_max3A [1] : vector<4x8192xf32> to vector<4xf32>
      %broadcast_in_dim3A_70 = vector.shape_cast %reduce_max3A_69 : vector<4xf32> to vector<4x1xf32>
      %eq3A_71 = vector.broadcast %broadcast_in_dim3A_70 : vector<4x1xf32> to vector<4x8192xf32>
      %eq3A_72 = arith.cmpf oeq, %scan3A_66, %eq3A_71 : vector<4x8192xf32>
      %jit3A_73 = arith.constant 1073741824 : i32
      %broadcast_in_dim3A_74 = vector.broadcast %jit3A_73 : i32 to vector<4x8192xi32>
      %select_n3A_75 = arith.select %eq3A_72, %iota3A, %broadcast_in_dim3A_74 : vector<4x8192xi1>, vector<4x8192xi32>
      %reduce_min3A = arith.constant dense<2147483647> : vector<4xi32>
      %reduce_min3A_76 = vector.multi_reduction <minsi>, %select_n3A_75, %reduce_min3A [1] : vector<4x8192xi32> to vector<4xi32>
      %broadcast_in_dim3A_77 = vector.shape_cast %reduce_min3A_76 : vector<4xi32> to vector<4x1xi32>
      %eq3A_78 = vector.broadcast %scan3A_65 : i32 to vector<4x128xi32>
      %eq3A_79 = arith.cmpi eq, %iota3A_2, %eq3A_78 : vector<4x128xi32>
      %broadcast_in_dim3A_80 = vector.shape_cast %broadcast_in_dim3A_70 : vector<4x1xf32> to vector<4x1xf32>
      %broadcast_in_dim3A_81 = vector.broadcast %broadcast_in_dim3A_80 : vector<4x1xf32> to vector<4x128xf32>
      %select_n3A_82 = arith.select %eq3A_79, %broadcast_in_dim3A_81, %scan3A_67 : vector<4x128xi1>, vector<4x128xf32>
      %eq3A_83 = vector.broadcast %scan3A_65 : i32 to vector<4x128xi32>
      %eq3A_84 = arith.cmpi eq, %iota3A_2, %eq3A_83 : vector<4x128xi32>
      %broadcast_in_dim3A_85 = vector.shape_cast %broadcast_in_dim3A_77 : vector<4x1xi32> to vector<4x1xi32>
      %broadcast_in_dim3A_86 = vector.broadcast %broadcast_in_dim3A_85 : vector<4x1xi32> to vector<4x128xi32>
      %select_n3A_87 = arith.select %eq3A_84, %broadcast_in_dim3A_86, %scan3A_68 : vector<4x128xi1>, vector<4x128xi32>
      %eq3A_88 = vector.broadcast %broadcast_in_dim3A_77 : vector<4x1xi32> to vector<4x8192xi32>
      %eq3A_89 = arith.cmpi eq, %iota3A, %eq3A_88 : vector<4x8192xi32>
      %jit3A_90 = arith.constant 0xFF800000 : f32
      %broadcast_in_dim3A_91 = vector.broadcast %jit3A_90 : f32 to vector<4x8192xf32>
      %select_n3A_92 = arith.select %eq3A_89, %broadcast_in_dim3A_91, %scan3A_66 : vector<4x8192xi1>, vector<4x8192xf32>
      scf.yield %select_n3A_92, %select_n3A_82, %select_n3A_87 : vector<4x8192xf32>, vector<4x128xf32>, vector<4x128xi32>
    }
    %scan3A_10 = arith.constant 100 : i32
    %iota3A_11 = tpu.iota {dimensions = array<i32: 0>} : vector<4x128xi32>
    %swap3A = arith.constant 0 : index
    %swap3A_12 = arith.constant 0 : index
    %swap3A_13 = vector.load %arg1[%swap3A, %swap3A_12] : memref<4x128xf32, #tpu.memory_space<vmem>>, vector<4x128xf32>
    tpu.vector_store %arg1[%swap3A, %swap3A_12], %scan3A_9#1 {strides = array<i32>} : memref<4x128xf32, #tpu.memory_space<vmem>>, vector<4x128xf32>,
    %jit3A = arith.constant 80 : i32
    %eq3A = arith.constant 0 : i32
    %eq3A_14 = arith.cmpi eq, %jit3A, %eq3A : i32
    %jit3A_15 = arith.constant 1 : i32
    %select_n3A = arith.select %eq3A_14, %jit3A_15, %jit3A : i32
    %rem3A = vector.broadcast %select_n3A : i32 to vector<4x128xi32>
    %rem3A_16 = arith.remsi %scan3A_9#2, %rem3A : vector<4x128xi32>
    %ne3A = arith.constant 0 : i32
    %ne3A_17 = vector.broadcast %ne3A : i32 to vector<4x128xi32>
    %ne3A_18 = arith.cmpi ne, %rem3A_16, %ne3A_17 : vector<4x128xi32>
    %lt3A = arith.constant 0 : i32
    %lt3A_19 = vector.broadcast %lt3A : i32 to vector<4x128xi32>
    %lt3A_20 = arith.cmpi slt, %rem3A_16, %lt3A_19 : vector<4x128xi32>
    %lt3A_21 = arith.constant 0 : i32
    %lt3A_22 = arith.cmpi slt, %select_n3A, %lt3A_21 : i32
    %ne3A_23 = vector.broadcast %lt3A_22 : i1 to vector<4x128xi1>
    %ne3A_24 = vector.broadcast %ne3A_23 : vector<4x128xi1> to vector<4x128xi1>
    %ne3A_25 = arith.xori %lt3A_20, %ne3A_24 : vector<4x128xi1>
    %and3A = arith.andi %ne3A_25, %ne3A_18 : vector<4x128xi1>
    %add3A = vector.broadcast %select_n3A : i32 to vector<4x128xi32>
    %add3A_26 = arith.addi %rem3A_16, %add3A : vector<4x128xi32>
    %select_n3A_27 = arith.select %and3A, %add3A_26, %rem3A_16 : vector<4x128xi1>, vector<4x128xi32>
    %swap3A_28 = arith.constant 0 : index
    %swap3A_29 = arith.constant 0 : index
    %swap3A_30 = vector.load %arg2[%swap3A_28, %swap3A_29] : memref<4x128xi32, #tpu.memory_space<vmem>>, vector<4x128xi32>
    tpu.vector_store %arg2[%swap3A_28, %swap3A_29], %select_n3A_27 {strides = array<i32>} : memref<4x128xi32, #tpu.memory_space<vmem>>, vector<4x128xi32>,
    %jit3A_31 = arith.constant 80 : i32
    %div3A = vector.broadcast %jit3A_31 : i32 to vector<4x128xi32>
    %div3A_32 = arith.divsi %scan3A_9#2, %div3A : vector<4x128xi32>
    %sign3A = arith.constant 0 : i32
    %sign3A_33 = vector.broadcast %sign3A : i32 to vector<4x128xi32>
    %sign3A_34 = arith.cmpi sgt, %scan3A_9#2, %sign3A_33 : vector<4x128xi32>
    %sign3A_35 = arith.extui %sign3A_34 : vector<4x128xi1> to vector<4x128xi32>
    %sign3A_36 = arith.constant 0 : i32
    %sign3A_37 = vector.broadcast %sign3A_36 : i32 to vector<4x128xi32>
    %sign3A_38 = arith.cmpi slt, %scan3A_9#2, %sign3A_37 : vector<4x128xi32>
    %sign3A_39 = arith.extui %sign3A_38 : vector<4x128xi1> to vector<4x128xi32>
    %sign3A_40 = arith.subi %sign3A_35, %sign3A_39 : vector<4x128xi32>
    %sign3A_41 = arith.constant 0 : i32
    %sign3A_42 = arith.cmpi sgt, %jit3A_31, %sign3A_41 : i32
    %sign3A_43 = arith.extui %sign3A_42 : i1 to i32
    %sign3A_44 = arith.constant 0 : i32
    %sign3A_45 = arith.cmpi slt, %jit3A_31, %sign3A_44 : i32
    %sign3A_46 = arith.extui %sign3A_45 : i1 to i32
    %sign3A_47 = arith.subi %sign3A_43, %sign3A_46 : i32
    %ne3A_48 = vector.broadcast %sign3A_47 : i32 to vector<4x128xi32>
    %ne3A_49 = arith.cmpi ne, %sign3A_40, %ne3A_48 : vector<4x128xi32>
    %rem3A_50 = vector.broadcast %jit3A_31 : i32 to vector<4x128xi32>
    %rem3A_51 = arith.remsi %scan3A_9#2, %rem3A_50 : vector<4x128xi32>
    %ne3A_52 = arith.constant 0 : i32
    %ne3A_53 = vector.broadcast %ne3A_52 : i32 to vector<4x128xi32>
    %ne3A_54 = arith.cmpi ne, %rem3A_51, %ne3A_53 : vector<4x128xi32>
    %and3A_55 = arith.andi %ne3A_49, %ne3A_54 : vector<4x128xi1>
    %sub3A = arith.constant 1 : i32
    %sub3A_56 = vector.broadcast %sub3A : i32 to vector<4x128xi32>
    %sub3A_57 = arith.subi %div3A_32, %sub3A_56 : vector<4x128xi32>
    %select_n3A_58 = arith.select %and3A_55, %sub3A_57, %div3A_32 : vector<4x128xi1>, vector<4x128xi32>
    %mul3A = arith.constant 100 : i32
    %mul3A_59 = vector.broadcast %mul3A : i32 to vector<4x128xi32>
    %mul3A_60 = arith.muli %mul3A_59, %iota3A_11 : vector<4x128xi32>
    %add3A_61 = arith.addi %select_n3A_58, %mul3A_60 : vector<4x128xi32>
    %swap3A_62 = arith.constant 0 : index
    %swap3A_63 = arith.constant 0 : index
    %swap3A_64 = vector.load %arg3[%swap3A_62, %swap3A_63] : memref<4x128xi32, #tpu.memory_space<vmem>>, vector<4x128xi32>
    tpu.vector_store %arg3[%swap3A_62, %swap3A_63], %add3A_61 {strides = array<i32>} : memref<4x128xi32, #tpu.memory_space<vmem>>, vector<4x128xi32>,
    return
  }
}

module attributes {stable_mosaic.version = 14 : i64} {
  func.func @_upsample_body(%arg0: i32, %arg1: memref<400xi32, #tpu.memory_space<smem>>, %arg2: memref<1x128x128xf32, #tpu.memory_space<vmem>>, %arg3: memref<1x128x128xf32, #tpu.memory_space<vmem>>, %arg4: memref<1x128x128xf32, #tpu.memory_space<vmem>>, %arg5: memref<1x128x128xf32, #tpu.memory_space<vmem>>, %arg6: memref<128x512xbf16, #tpu.memory_space<vmem>>, %arg7: memref<512x64xbf16, #tpu.memory_space<vmem>>, %arg8: memref<4x512x128xi32, #tpu.memory_space<vmem>>) attributes {dimension_semantics = [#tpu.dimension_semantics<arbitrary>], iteration_bounds = array<i64: 100>, scalar_prefetch = 1 : i64, scratch_operands = 0 : i64, tpu.core_type = #tpu.core_type<tc>, window_params = [{transform_indices = @transform_0, window_bounds = array<i64: 1, 128, 128>}, {transform_indices = @transform_1, window_bounds = array<i64: 1, 128, 128>}, {transform_indices = @transform_2, window_bounds = array<i64: 1, 128, 128>}, {transform_indices = @transform_3, window_bounds = array<i64: 1, 128, 128>}, {pipeline_mode = #tpu.pipeline_mode<synchronous>, transform_indices = @transform_4, window_bounds = array<i64: 128, 512>}, {pipeline_mode = #tpu.pipeline_mode<synchronous>, transform_indices = @transform_5, window_bounds = array<i64: 512, 64>}, {transform_indices = @transform_6, window_bounds = array<i64: 4, 512, 128>}]} {
    %get3A = arith.constant 0 : index
    %get3A_0 = arith.constant 0 : index
    %get3A_1 = arith.constant 0 : index
    %get3A_2 = vector.load %arg2[%get3A, %get3A_0, %get3A_1] : memref<1x128x128xf32, #tpu.memory_space<vmem>>, vector<1x128x128xf32>
    %get3A_3 = vector.shape_cast %get3A_2 : vector<1x128x128xf32> to vector<128x128xf32>
    %get3A_4 = arith.constant 0 : index
    %get3A_5 = arith.constant 0 : index
    %get3A_6 = arith.constant 0 : index
    %get3A_7 = vector.load %arg3[%get3A_4, %get3A_5, %get3A_6] : memref<1x128x128xf32, #tpu.memory_space<vmem>>, vector<1x128x128xf32>
    %get3A_8 = vector.shape_cast %get3A_7 : vector<1x128x128xf32> to vector<128x128xf32>
    %get3A_9 = arith.constant 0 : index
    %get3A_10 = arith.constant 0 : index
    %get3A_11 = arith.constant 0 : index
    %get3A_12 = vector.load %arg4[%get3A_9, %get3A_10, %get3A_11] : memref<1x128x128xf32, #tpu.memory_space<vmem>>, vector<1x128x128xf32>
    %get3A_13 = vector.shape_cast %get3A_12 : vector<1x128x128xf32> to vector<128x128xf32>
    %get3A_14 = arith.constant 0 : index
    %get3A_15 = arith.constant 0 : index
    %get3A_16 = arith.constant 0 : index
    %get3A_17 = vector.load %arg5[%get3A_14, %get3A_15, %get3A_16] : memref<1x128x128xf32, #tpu.memory_space<vmem>>, vector<1x128x128xf32>
    %get3A_18 = vector.shape_cast %get3A_17 : vector<1x128x128xf32> to vector<128x128xf32>
    %concatenate3A = tpu.concatenate %get3A_3, %get3A_8, %get3A_13, %get3A_18 in 0 : vector<128x128xf32>, vector<128x128xf32>, vector<128x128xf32>, vector<128x128xf32> -> vector<512x128xf32>
    %logistic3A = arith.negf %concatenate3A : vector<512x128xf32>
    %logistic3A_19 = math.exp %logistic3A : vector<512x128xf32>
    %logistic3A_20 = arith.constant 1.000000e+00 : f32
    %logistic3A_21 = vector.broadcast %logistic3A_20 : f32 to vector<512x128xf32>
    %logistic3A_22 = arith.addf %logistic3A_21, %logistic3A_19 : vector<512x128xf32>
    %logistic3A_23 = arith.divf %logistic3A_21, %logistic3A_22 : vector<512x128xf32>
    %convert_element_type3A = arith.truncf %logistic3A_23 : vector<512x128xf32> to vector<512x128xbf16>
    %convert_element_type3A_24 = arith.extf %convert_element_type3A : vector<512x128xbf16> to vector<512x128xf32>
    %sub3A = arith.subf %logistic3A_23, %convert_element_type3A_24 : vector<512x128xf32>
    %convert_element_type3A_25 = arith.truncf %sub3A : vector<512x128xf32> to vector<512x128xbf16>
    %convert_element_type3A_26 = arith.extf %convert_element_type3A_25 : vector<512x128xbf16> to vector<512x128xf32>
    %sub3A_27 = arith.subf %sub3A, %convert_element_type3A_26 : vector<512x128xf32>
    %convert_element_type3A_28 = arith.truncf %sub3A_27 : vector<512x128xf32> to vector<512x128xbf16>
    %get3A_29 = arith.constant 0 : index
    %get3A_30 = arith.constant 0 : index
    %get3A_31 = vector.load %arg6[%get3A_29, %get3A_30] : memref<128x512xbf16, #tpu.memory_space<vmem>>, vector<128x512xbf16>
    %dot_general3A = arith.constant dense<0.000000e+00> : vector<512x512xf32>
    %dot_general3A_32 = tpu.matmul %convert_element_type3A, %get3A_31, %dot_general3A {dimension_numbers = #tpu.dot_dimension_numbers<[1], [0], [0], [1], [0, 0, 1, 1], [], []>, transpose_lhs_hint = false} : vector<512x128xbf16>, vector<128x512xbf16>, vector<512x512xf32> -> vector<512x512xf32>
    %dot_general3A_33 = arith.constant dense<0.000000e+00> : vector<512x512xf32>
    %dot_general3A_34 = tpu.matmul %convert_element_type3A_25, %get3A_31, %dot_general3A_33 {dimension_numbers = #tpu.dot_dimension_numbers<[1], [0], [0], [1], [0, 0, 1, 1], [], []>, transpose_lhs_hint = false} : vector<512x128xbf16>, vector<128x512xbf16>, vector<512x512xf32> -> vector<512x512xf32>
    %add3A = arith.addf %dot_general3A_32, %dot_general3A_34 : vector<512x512xf32>
    %dot_general3A_35 = arith.constant dense<0.000000e+00> : vector<512x512xf32>
    %dot_general3A_36 = tpu.matmul %convert_element_type3A_28, %get3A_31, %dot_general3A_35 {dimension_numbers = #tpu.dot_dimension_numbers<[1], [0], [0], [1], [0, 0, 1, 1], [], []>, transpose_lhs_hint = false} : vector<512x128xbf16>, vector<128x512xbf16>, vector<512x512xf32> -> vector<512x512xf32>
    %add3A_37 = arith.addf %add3A, %dot_general3A_36 : vector<512x512xf32>
    %convert_element_type3A_38 = arith.truncf %add3A_37 : vector<512x512xf32> to vector<512x512xbf16>
    %convert_element_type3A_39 = arith.extf %convert_element_type3A_38 : vector<512x512xbf16> to vector<512x512xf32>
    %sub3A_40 = arith.subf %add3A_37, %convert_element_type3A_39 : vector<512x512xf32>
    %convert_element_type3A_41 = arith.truncf %sub3A_40 : vector<512x512xf32> to vector<512x512xbf16>
    %convert_element_type3A_42 = arith.extf %convert_element_type3A_41 : vector<512x512xbf16> to vector<512x512xf32>
    %sub3A_43 = arith.subf %sub3A_40, %convert_element_type3A_42 : vector<512x512xf32>
    %convert_element_type3A_44 = arith.truncf %sub3A_43 : vector<512x512xf32> to vector<512x512xbf16>
    %get3A_45 = arith.constant 0 : index
    %get3A_46 = arith.constant 0 : index
    %get3A_47 = vector.load %arg7[%get3A_45, %get3A_46] : memref<512x64xbf16, #tpu.memory_space<vmem>>, vector<128x64xbf16>
    %slice3A = vector.extract_strided_slice %convert_element_type3A_38 {offsets = [0, 0], sizes = [64, 512], strides = [1, 1]} : vector<512x512xbf16> to vector<64x512xbf16>
    %dot_general3A_48 = arith.constant dense<0.000000e+00> : vector<128x512xf32>
    %dot_general3A_49 = tpu.matmul %get3A_47, %slice3A, %dot_general3A_48 {dimension_numbers = #tpu.dot_dimension_numbers<[1], [0], [0], [1], [0, 0, 1, 1], [], []>, transpose_lhs_hint = false} : vector<128x64xbf16>, vector<64x512xbf16>, vector<128x512xf32> -> vector<128x512xf32>
    %slice3A_50 = vector.extract_strided_slice %convert_element_type3A_41 {offsets = [0, 0], sizes = [64, 512], strides = [1, 1]} : vector<512x512xbf16> to vector<64x512xbf16>
    %dot_general3A_51 = arith.constant dense<0.000000e+00> : vector<128x512xf32>
    %dot_general3A_52 = tpu.matmul %get3A_47, %slice3A_50, %dot_general3A_51 {dimension_numbers = #tpu.dot_dimension_numbers<[1], [0], [0], [1], [0, 0, 1, 1], [], []>, transpose_lhs_hint = false} : vector<128x64xbf16>, vector<64x512xbf16>, vector<128x512xf32> -> vector<128x512xf32>
    %add3A_53 = arith.addf %dot_general3A_49, %dot_general3A_52 : vector<128x512xf32>
    %slice3A_54 = vector.extract_strided_slice %convert_element_type3A_44 {offsets = [0, 0], sizes = [64, 512], strides = [1, 1]} : vector<512x512xbf16> to vector<64x512xbf16>
    %dot_general3A_55 = arith.constant dense<0.000000e+00> : vector<128x512xf32>
    %dot_general3A_56 = tpu.matmul %get3A_47, %slice3A_54, %dot_general3A_55 {dimension_numbers = #tpu.dot_dimension_numbers<[1], [0], [0], [1], [0, 0, 1, 1], [], []>, transpose_lhs_hint = false} : vector<128x64xbf16>, vector<64x512xbf16>, vector<128x512xf32> -> vector<128x512xf32>
    %add3A_57 = arith.addf %add3A_53, %dot_general3A_56 : vector<128x512xf32>
    %slice3A_58 = vector.extract_strided_slice %add3A_57 {offsets = [0, 0], sizes = [128, 128], strides = [1, 1]} : vector<128x512xf32> to vector<128x128xf32>
    %gt3A = arith.constant 5.000000e-01 : f32
    %gt3A_59 = vector.broadcast %gt3A : f32 to vector<128x128xf32>
    %gt3A_60 = arith.cmpf ogt, %slice3A_58, %gt3A_59 : vector<128x128xf32>
    %jit3A = arith.constant 1 : i32
    %jit3A_61 = arith.constant 0 : i32
    %broadcast_in_dim3A = vector.broadcast %jit3A : i32 to vector<128x128xi32>
    %broadcast_in_dim3A_62 = vector.broadcast %jit3A_61 : i32 to vector<128x128xi32>
    %select_n3A = arith.select %gt3A_60, %broadcast_in_dim3A, %broadcast_in_dim3A_62 : vector<128x128xi1>, vector<128x128xi32>
    %slice3A_63 = vector.extract_strided_slice %add3A_57 {offsets = [0, 128], sizes = [128, 128], strides = [1, 1]} : vector<128x512xf32> to vector<128x128xf32>
    %gt3A_64 = arith.constant 5.000000e-01 : f32
    %gt3A_65 = vector.broadcast %gt3A_64 : f32 to vector<128x128xf32>
    %gt3A_66 = arith.cmpf ogt, %slice3A_63, %gt3A_65 : vector<128x128xf32>
    %jit3A_67 = arith.constant 256 : i32
    %jit3A_68 = arith.constant 0 : i32
    %broadcast_in_dim3A_69 = vector.broadcast %jit3A_67 : i32 to vector<128x128xi32>
    %broadcast_in_dim3A_70 = vector.broadcast %jit3A_68 : i32 to vector<128x128xi32>
    %select_n3A_71 = arith.select %gt3A_66, %broadcast_in_dim3A_69, %broadcast_in_dim3A_70 : vector<128x128xi1>, vector<128x128xi32>
    %or3A = arith.ori %select_n3A, %select_n3A_71 : vector<128x128xi32>
    %slice3A_72 = vector.extract_strided_slice %add3A_57 {offsets = [0, 256], sizes = [128, 128], strides = [1, 1]} : vector<128x512xf32> to vector<128x128xf32>
    %gt3A_73 = arith.constant 5.000000e-01 : f32
    %gt3A_74 = vector.broadcast %gt3A_73 : f32 to vector<128x128xf32>
    %gt3A_75 = arith.cmpf ogt, %slice3A_72, %gt3A_74 : vector<128x128xf32>
    %jit3A_76 = arith.constant 65536 : i32
    %jit3A_77 = arith.constant 0 : i32
    %broadcast_in_dim3A_78 = vector.broadcast %jit3A_76 : i32 to vector<128x128xi32>
    %broadcast_in_dim3A_79 = vector.broadcast %jit3A_77 : i32 to vector<128x128xi32>
    %select_n3A_80 = arith.select %gt3A_75, %broadcast_in_dim3A_78, %broadcast_in_dim3A_79 : vector<128x128xi1>, vector<128x128xi32>
    %or3A_81 = arith.ori %or3A, %select_n3A_80 : vector<128x128xi32>
    %slice3A_82 = vector.extract_strided_slice %add3A_57 {offsets = [0, 384], sizes = [128, 128], strides = [1, 1]} : vector<128x512xf32> to vector<128x128xf32>
    %gt3A_83 = arith.constant 5.000000e-01 : f32
    %gt3A_84 = vector.broadcast %gt3A_83 : f32 to vector<128x128xf32>
    %gt3A_85 = arith.cmpf ogt, %slice3A_82, %gt3A_84 : vector<128x128xf32>
    %jit3A_86 = arith.constant 16777216 : i32
    %jit3A_87 = arith.constant 0 : i32
    %broadcast_in_dim3A_88 = vector.broadcast %jit3A_86 : i32 to vector<128x128xi32>
    %broadcast_in_dim3A_89 = vector.broadcast %jit3A_87 : i32 to vector<128x128xi32>
    %select_n3A_90 = arith.select %gt3A_85, %broadcast_in_dim3A_88, %broadcast_in_dim3A_89 : vector<128x128xi1>, vector<128x128xi32>
    %or3A_91 = arith.ori %or3A_81, %select_n3A_90 : vector<128x128xi32>
    %swap3A = arith.constant 0 : index
    %swap3A_92 = arith.constant 0 : index
    %swap3A_93 = arith.constant 0 : index
    %swap3A_94 = vector.load %arg8[%swap3A, %swap3A_92, %swap3A_93] : memref<4x512x128xi32, #tpu.memory_space<vmem>>, vector<1x128x128xi32>
    %swap3A_95 = vector.shape_cast %swap3A_94 : vector<1x128x128xi32> to vector<128x128xi32>
    %swap3A_96 = vector.shape_cast %or3A_91 : vector<128x128xi32> to vector<1x128x128xi32>
    tpu.vector_store %arg8[%swap3A, %swap3A_92, %swap3A_93], %swap3A_96 {strides = array<i32>} : memref<4x512x128xi32, #tpu.memory_space<vmem>>, vector<1x128x128xi32>,
    %get3A_97 = arith.constant 128 : index
    %get3A_98 = arith.constant 0 : index
    %get3A_99 = vector.load %arg7[%get3A_97, %get3A_98] : memref<512x64xbf16, #tpu.memory_space<vmem>>, vector<128x64xbf16>
    %slice3A_100 = vector.extract_strided_slice %convert_element_type3A_38 {offsets = [16, 0], sizes = [64, 512], strides = [1, 1]} : vector<512x512xbf16> to vector<64x512xbf16>
    %dot_general3A_101 = arith.constant dense<0.000000e+00> : vector<128x512xf32>
    %dot_general3A_102 = tpu.matmul %get3A_99, %slice3A_100, %dot_general3A_101 {dimension_numbers = #tpu.dot_dimension_numbers<[1], [0], [0], [1], [0, 0, 1, 1], [], []>, transpose_lhs_hint = false} : vector<128x64xbf16>, vector<64x512xbf16>, vector<128x512xf32> -> vector<128x512xf32>
    %slice3A_103 = vector.extract_strided_slice %convert_element_type3A_41 {offsets = [16, 0], sizes = [64, 512], strides = [1, 1]} : vector<512x512xbf16> to vector<64x512xbf16>
    %dot_general3A_104 = arith.constant dense<0.000000e+00> : vector<128x512xf32>
    %dot_general3A_105 = tpu.matmul %get3A_99, %slice3A_103, %dot_general3A_104 {dimension_numbers = #tpu.dot_dimension_numbers<[1], [0], [0], [1], [0, 0, 1, 1], [], []>, transpose_lhs_hint = false} : vector<128x64xbf16>, vector<64x512xbf16>, vector<128x512xf32> -> vector<128x512xf32>
    %add3A_106 = arith.addf %dot_general3A_102, %dot_general3A_105 : vector<128x512xf32>
    %slice3A_107 = vector.extract_strided_slice %convert_element_type3A_44 {offsets = [16, 0], sizes = [64, 512], strides = [1, 1]} : vector<512x512xbf16> to vector<64x512xbf16>
    %dot_general3A_108 = arith.constant dense<0.000000e+00> : vector<128x512xf32>
    %dot_general3A_109 = tpu.matmul %get3A_99, %slice3A_107, %dot_general3A_108 {dimension_numbers = #tpu.dot_dimension_numbers<[1], [0], [0], [1], [0, 0, 1, 1], [], []>, transpose_lhs_hint = false} : vector<128x64xbf16>, vector<64x512xbf16>, vector<128x512xf32> -> vector<128x512xf32>
    %add3A_110 = arith.addf %add3A_106, %dot_general3A_109 : vector<128x512xf32>
    %slice3A_111 = vector.extract_strided_slice %add3A_110 {offsets = [0, 0], sizes = [128, 128], strides = [1, 1]} : vector<128x512xf32> to vector<128x128xf32>
    %gt3A_112 = arith.constant 5.000000e-01 : f32
    %gt3A_113 = vector.broadcast %gt3A_112 : f32 to vector<128x128xf32>
    %gt3A_114 = arith.cmpf ogt, %slice3A_111, %gt3A_113 : vector<128x128xf32>
    %jit3A_115 = arith.constant 1 : i32
    %jit3A_116 = arith.constant 0 : i32
    %broadcast_in_dim3A_117 = vector.broadcast %jit3A_115 : i32 to vector<128x128xi32>
    %broadcast_in_dim3A_118 = vector.broadcast %jit3A_116 : i32 to vector<128x128xi32>
    %select_n3A_119 = arith.select %gt3A_114, %broadcast_in_dim3A_117, %broadcast_in_dim3A_118 : vector<128x128xi1>, vector<128x128xi32>
    %slice3A_120 = vector.extract_strided_slice %add3A_110 {offsets = [0, 128], sizes = [128, 128], strides = [1, 1]} : vector<128x512xf32> to vector<128x128xf32>
    %gt3A_121 = arith.constant 5.000000e-01 : f32
    %gt3A_122 = vector.broadcast %gt3A_121 : f32 to vector<128x128xf32>
    %gt3A_123 = arith.cmpf ogt, %slice3A_120, %gt3A_122 : vector<128x128xf32>
    %jit3A_124 = arith.constant 256 : i32
    %jit3A_125 = arith.constant 0 : i32
    %broadcast_in_dim3A_126 = vector.broadcast %jit3A_124 : i32 to vector<128x128xi32>
    %broadcast_in_dim3A_127 = vector.broadcast %jit3A_125 : i32 to vector<128x128xi32>
    %select_n3A_128 = arith.select %gt3A_123, %broadcast_in_dim3A_126, %broadcast_in_dim3A_127 : vector<128x128xi1>, vector<128x128xi32>
    %or3A_129 = arith.ori %select_n3A_119, %select_n3A_128 : vector<128x128xi32>
    %slice3A_130 = vector.extract_strided_slice %add3A_110 {offsets = [0, 256], sizes = [128, 128], strides = [1, 1]} : vector<128x512xf32> to vector<128x128xf32>
    %gt3A_131 = arith.constant 5.000000e-01 : f32
    %gt3A_132 = vector.broadcast %gt3A_131 : f32 to vector<128x128xf32>
    %gt3A_133 = arith.cmpf ogt, %slice3A_130, %gt3A_132 : vector<128x128xf32>
    %jit3A_134 = arith.constant 65536 : i32
    %jit3A_135 = arith.constant 0 : i32
    %broadcast_in_dim3A_136 = vector.broadcast %jit3A_134 : i32 to vector<128x128xi32>
    %broadcast_in_dim3A_137 = vector.broadcast %jit3A_135 : i32 to vector<128x128xi32>
    %select_n3A_138 = arith.select %gt3A_133, %broadcast_in_dim3A_136, %broadcast_in_dim3A_137 : vector<128x128xi1>, vector<128x128xi32>
    %or3A_139 = arith.ori %or3A_129, %select_n3A_138 : vector<128x128xi32>
    %slice3A_140 = vector.extract_strided_slice %add3A_110 {offsets = [0, 384], sizes = [128, 128], strides = [1, 1]} : vector<128x512xf32> to vector<128x128xf32>
    %gt3A_141 = arith.constant 5.000000e-01 : f32
    %gt3A_142 = vector.broadcast %gt3A_141 : f32 to vector<128x128xf32>
    %gt3A_143 = arith.cmpf ogt, %slice3A_140, %gt3A_142 : vector<128x128xf32>
    %jit3A_144 = arith.constant 16777216 : i32
    %jit3A_145 = arith.constant 0 : i32
    %broadcast_in_dim3A_146 = vector.broadcast %jit3A_144 : i32 to vector<128x128xi32>
    %broadcast_in_dim3A_147 = vector.broadcast %jit3A_145 : i32 to vector<128x128xi32>
    %select_n3A_148 = arith.select %gt3A_143, %broadcast_in_dim3A_146, %broadcast_in_dim3A_147 : vector<128x128xi1>, vector<128x128xi32>
    %or3A_149 = arith.ori %or3A_139, %select_n3A_148 : vector<128x128xi32>
    %swap3A_150 = arith.constant 0 : index
    %swap3A_151 = arith.constant 128 : index
    %swap3A_152 = arith.constant 0 : index
    %swap3A_153 = vector.load %arg8[%swap3A_150, %swap3A_151, %swap3A_152] : memref<4x512x128xi32, #tpu.memory_space<vmem>>, vector<1x128x128xi32>
    %swap3A_154 = vector.shape_cast %swap3A_153 : vector<1x128x128xi32> to vector<128x128xi32>
    %swap3A_155 = vector.shape_cast %or3A_149 : vector<128x128xi32> to vector<1x128x128xi32>
    tpu.vector_store %arg8[%swap3A_150, %swap3A_151, %swap3A_152], %swap3A_155 {strides = array<i32>} : memref<4x512x128xi32, #tpu.memory_space<vmem>>, vector<1x128x128xi32>,
    %get3A_156 = arith.constant 256 : index
    %get3A_157 = arith.constant 0 : index
    %get3A_158 = vector.load %arg7[%get3A_156, %get3A_157] : memref<512x64xbf16, #tpu.memory_space<vmem>>, vector<128x64xbf16>
    %slice3A_159 = vector.extract_strided_slice %convert_element_type3A_38 {offsets = [48, 0], sizes = [64, 512], strides = [1, 1]} : vector<512x512xbf16> to vector<64x512xbf16>
    %dot_general3A_160 = arith.constant dense<0.000000e+00> : vector<128x512xf32>
    %dot_general3A_161 = tpu.matmul %get3A_158, %slice3A_159, %dot_general3A_160 {dimension_numbers = #tpu.dot_dimension_numbers<[1], [0], [0], [1], [0, 0, 1, 1], [], []>, transpose_lhs_hint = false} : vector<128x64xbf16>, vector<64x512xbf16>, vector<128x512xf32> -> vector<128x512xf32>
    %slice3A_162 = vector.extract_strided_slice %convert_element_type3A_41 {offsets = [48, 0], sizes = [64, 512], strides = [1, 1]} : vector<512x512xbf16> to vector<64x512xbf16>
    %dot_general3A_163 = arith.constant dense<0.000000e+00> : vector<128x512xf32>
    %dot_general3A_164 = tpu.matmul %get3A_158, %slice3A_162, %dot_general3A_163 {dimension_numbers = #tpu.dot_dimension_numbers<[1], [0], [0], [1], [0, 0, 1, 1], [], []>, transpose_lhs_hint = false} : vector<128x64xbf16>, vector<64x512xbf16>, vector<128x512xf32> -> vector<128x512xf32>
    %add3A_165 = arith.addf %dot_general3A_161, %dot_general3A_164 : vector<128x512xf32>
    %slice3A_166 = vector.extract_strided_slice %convert_element_type3A_44 {offsets = [48, 0], sizes = [64, 512], strides = [1, 1]} : vector<512x512xbf16> to vector<64x512xbf16>
    %dot_general3A_167 = arith.constant dense<0.000000e+00> : vector<128x512xf32>
    %dot_general3A_168 = tpu.matmul %get3A_158, %slice3A_166, %dot_general3A_167 {dimension_numbers = #tpu.dot_dimension_numbers<[1], [0], [0], [1], [0, 0, 1, 1], [], []>, transpose_lhs_hint = false} : vector<128x64xbf16>, vector<64x512xbf16>, vector<128x512xf32> -> vector<128x512xf32>
    %add3A_169 = arith.addf %add3A_165, %dot_general3A_168 : vector<128x512xf32>
    %slice3A_170 = vector.extract_strided_slice %add3A_169 {offsets = [0, 0], sizes = [128, 128], strides = [1, 1]} : vector<128x512xf32> to vector<128x128xf32>
    %gt3A_171 = arith.constant 5.000000e-01 : f32
    %gt3A_172 = vector.broadcast %gt3A_171 : f32 to vector<128x128xf32>
    %gt3A_173 = arith.cmpf ogt, %slice3A_170, %gt3A_172 : vector<128x128xf32>
    %jit3A_174 = arith.constant 1 : i32
    %jit3A_175 = arith.constant 0 : i32
    %broadcast_in_dim3A_176 = vector.broadcast %jit3A_174 : i32 to vector<128x128xi32>
    %broadcast_in_dim3A_177 = vector.broadcast %jit3A_175 : i32 to vector<128x128xi32>
    %select_n3A_178 = arith.select %gt3A_173, %broadcast_in_dim3A_176, %broadcast_in_dim3A_177 : vector<128x128xi1>, vector<128x128xi32>
    %slice3A_179 = vector.extract_strided_slice %add3A_169 {offsets = [0, 128], sizes = [128, 128], strides = [1, 1]} : vector<128x512xf32> to vector<128x128xf32>
    %gt3A_180 = arith.constant 5.000000e-01 : f32
    %gt3A_181 = vector.broadcast %gt3A_180 : f32 to vector<128x128xf32>
    %gt3A_182 = arith.cmpf ogt, %slice3A_179, %gt3A_181 : vector<128x128xf32>
    %jit3A_183 = arith.constant 256 : i32
    %jit3A_184 = arith.constant 0 : i32
    %broadcast_in_dim3A_185 = vector.broadcast %jit3A_183 : i32 to vector<128x128xi32>
    %broadcast_in_dim3A_186 = vector.broadcast %jit3A_184 : i32 to vector<128x128xi32>
    %select_n3A_187 = arith.select %gt3A_182, %broadcast_in_dim3A_185, %broadcast_in_dim3A_186 : vector<128x128xi1>, vector<128x128xi32>
    %or3A_188 = arith.ori %select_n3A_178, %select_n3A_187 : vector<128x128xi32>
    %slice3A_189 = vector.extract_strided_slice %add3A_169 {offsets = [0, 256], sizes = [128, 128], strides = [1, 1]} : vector<128x512xf32> to vector<128x128xf32>
    %gt3A_190 = arith.constant 5.000000e-01 : f32
    %gt3A_191 = vector.broadcast %gt3A_190 : f32 to vector<128x128xf32>
    %gt3A_192 = arith.cmpf ogt, %slice3A_189, %gt3A_191 : vector<128x128xf32>
    %jit3A_193 = arith.constant 65536 : i32
    %jit3A_194 = arith.constant 0 : i32
    %broadcast_in_dim3A_195 = vector.broadcast %jit3A_193 : i32 to vector<128x128xi32>
    %broadcast_in_dim3A_196 = vector.broadcast %jit3A_194 : i32 to vector<128x128xi32>
    %select_n3A_197 = arith.select %gt3A_192, %broadcast_in_dim3A_195, %broadcast_in_dim3A_196 : vector<128x128xi1>, vector<128x128xi32>
    %or3A_198 = arith.ori %or3A_188, %select_n3A_197 : vector<128x128xi32>
    %slice3A_199 = vector.extract_strided_slice %add3A_169 {offsets = [0, 384], sizes = [128, 128], strides = [1, 1]} : vector<128x512xf32> to vector<128x128xf32>
    %gt3A_200 = arith.constant 5.000000e-01 : f32
    %gt3A_201 = vector.broadcast %gt3A_200 : f32 to vector<128x128xf32>
    %gt3A_202 = arith.cmpf ogt, %slice3A_199, %gt3A_201 : vector<128x128xf32>
    %jit3A_203 = arith.constant 16777216 : i32
    %jit3A_204 = arith.constant 0 : i32
    %broadcast_in_dim3A_205 = vector.broadcast %jit3A_203 : i32 to vector<128x128xi32>
    %broadcast_in_dim3A_206 = vector.broadcast %jit3A_204 : i32 to vector<128x128xi32>
    %select_n3A_207 = arith.select %gt3A_202, %broadcast_in_dim3A_205, %broadcast_in_dim3A_206 : vector<128x128xi1>, vector<128x128xi32>
    %or3A_208 = arith.ori %or3A_198, %select_n3A_207 : vector<128x128xi32>
    %swap3A_209 = arith.constant 0 : index
    %swap3A_210 = arith.constant 256 : index
    %swap3A_211 = arith.constant 0 : index
    %swap3A_212 = vector.load %arg8[%swap3A_209, %swap3A_210, %swap3A_211] : memref<4x512x128xi32, #tpu.memory_space<vmem>>, vector<1x128x128xi32>
    %swap3A_213 = vector.shape_cast %swap3A_212 : vector<1x128x128xi32> to vector<128x128xi32>
    %swap3A_214 = vector.shape_cast %or3A_208 : vector<128x128xi32> to vector<1x128x128xi32>
    tpu.vector_store %arg8[%swap3A_209, %swap3A_210, %swap3A_211], %swap3A_214 {strides = array<i32>} : memref<4x512x128xi32, #tpu.memory_space<vmem>>, vector<1x128x128xi32>,
    %get3A_215 = arith.constant 384 : index
    %get3A_216 = arith.constant 0 : index
    %get3A_217 = vector.load %arg7[%get3A_215, %get3A_216] : memref<512x64xbf16, #tpu.memory_space<vmem>>, vector<128x64xbf16>
    %slice3A_218 = vector.extract_strided_slice %convert_element_type3A_38 {offsets = [64, 0], sizes = [64, 512], strides = [1, 1]} : vector<512x512xbf16> to vector<64x512xbf16>
    %dot_general3A_219 = arith.constant dense<0.000000e+00> : vector<128x512xf32>
    %dot_general3A_220 = tpu.matmul %get3A_217, %slice3A_218, %dot_general3A_219 {dimension_numbers = #tpu.dot_dimension_numbers<[1], [0], [0], [1], [0, 0, 1, 1], [], []>, transpose_lhs_hint = false} : vector<128x64xbf16>, vector<64x512xbf16>, vector<128x512xf32> -> vector<128x512xf32>
    %slice3A_221 = vector.extract_strided_slice %convert_element_type3A_41 {offsets = [64, 0], sizes = [64, 512], strides = [1, 1]} : vector<512x512xbf16> to vector<64x512xbf16>
    %dot_general3A_222 = arith.constant dense<0.000000e+00> : vector<128x512xf32>
    %dot_general3A_223 = tpu.matmul %get3A_217, %slice3A_221, %dot_general3A_222 {dimension_numbers = #tpu.dot_dimension_numbers<[1], [0], [0], [1], [0, 0, 1, 1], [], []>, transpose_lhs_hint = false} : vector<128x64xbf16>, vector<64x512xbf16>, vector<128x512xf32> -> vector<128x512xf32>
    %add3A_224 = arith.addf %dot_general3A_220, %dot_general3A_223 : vector<128x512xf32>
    %slice3A_225 = vector.extract_strided_slice %convert_element_type3A_44 {offsets = [64, 0], sizes = [64, 512], strides = [1, 1]} : vector<512x512xbf16> to vector<64x512xbf16>
    %dot_general3A_226 = arith.constant dense<0.000000e+00> : vector<128x512xf32>
    %dot_general3A_227 = tpu.matmul %get3A_217, %slice3A_225, %dot_general3A_226 {dimension_numbers = #tpu.dot_dimension_numbers<[1], [0], [0], [1], [0, 0, 1, 1], [], []>, transpose_lhs_hint = false} : vector<128x64xbf16>, vector<64x512xbf16>, vector<128x512xf32> -> vector<128x512xf32>
    %add3A_228 = arith.addf %add3A_224, %dot_general3A_227 : vector<128x512xf32>
    %slice3A_229 = vector.extract_strided_slice %add3A_228 {offsets = [0, 0], sizes = [128, 128], strides = [1, 1]} : vector<128x512xf32> to vector<128x128xf32>
    %gt3A_230 = arith.constant 5.000000e-01 : f32
    %gt3A_231 = vector.broadcast %gt3A_230 : f32 to vector<128x128xf32>
    %gt3A_232 = arith.cmpf ogt, %slice3A_229, %gt3A_231 : vector<128x128xf32>
    %jit3A_233 = arith.constant 1 : i32
    %jit3A_234 = arith.constant 0 : i32
    %broadcast_in_dim3A_235 = vector.broadcast %jit3A_233 : i32 to vector<128x128xi32>
    %broadcast_in_dim3A_236 = vector.broadcast %jit3A_234 : i32 to vector<128x128xi32>
    %select_n3A_237 = arith.select %gt3A_232, %broadcast_in_dim3A_235, %broadcast_in_dim3A_236 : vector<128x128xi1>, vector<128x128xi32>
    %slice3A_238 = vector.extract_strided_slice %add3A_228 {offsets = [0, 128], sizes = [128, 128], strides = [1, 1]} : vector<128x512xf32> to vector<128x128xf32>
    %gt3A_239 = arith.constant 5.000000e-01 : f32
    %gt3A_240 = vector.broadcast %gt3A_239 : f32 to vector<128x128xf32>
    %gt3A_241 = arith.cmpf ogt, %slice3A_238, %gt3A_240 : vector<128x128xf32>
    %jit3A_242 = arith.constant 256 : i32
    %jit3A_243 = arith.constant 0 : i32
    %broadcast_in_dim3A_244 = vector.broadcast %jit3A_242 : i32 to vector<128x128xi32>
    %broadcast_in_dim3A_245 = vector.broadcast %jit3A_243 : i32 to vector<128x128xi32>
    %select_n3A_246 = arith.select %gt3A_241, %broadcast_in_dim3A_244, %broadcast_in_dim3A_245 : vector<128x128xi1>, vector<128x128xi32>
    %or3A_247 = arith.ori %select_n3A_237, %select_n3A_246 : vector<128x128xi32>
    %slice3A_248 = vector.extract_strided_slice %add3A_228 {offsets = [0, 256], sizes = [128, 128], strides = [1, 1]} : vector<128x512xf32> to vector<128x128xf32>
    %gt3A_249 = arith.constant 5.000000e-01 : f32
    %gt3A_250 = vector.broadcast %gt3A_249 : f32 to vector<128x128xf32>
    %gt3A_251 = arith.cmpf ogt, %slice3A_248, %gt3A_250 : vector<128x128xf32>
    %jit3A_252 = arith.constant 65536 : i32
    %jit3A_253 = arith.constant 0 : i32
    %broadcast_in_dim3A_254 = vector.broadcast %jit3A_252 : i32 to vector<128x128xi32>
    %broadcast_in_dim3A_255 = vector.broadcast %jit3A_253 : i32 to vector<128x128xi32>
    %select_n3A_256 = arith.select %gt3A_251, %broadcast_in_dim3A_254, %broadcast_in_dim3A_255 : vector<128x128xi1>, vector<128x128xi32>
    %or3A_257 = arith.ori %or3A_247, %select_n3A_256 : vector<128x128xi32>
    %slice3A_258 = vector.extract_strided_slice %add3A_228 {offsets = [0, 384], sizes = [128, 128], strides = [1, 1]} : vector<128x512xf32> to vector<128x128xf32>
    %gt3A_259 = arith.constant 5.000000e-01 : f32
    %gt3A_260 = vector.broadcast %gt3A_259 : f32 to vector<128x128xf32>
    %gt3A_261 = arith.cmpf ogt, %slice3A_258, %gt3A_260 : vector<128x128xf32>
    %jit3A_262 = arith.constant 16777216 : i32
    %jit3A_263 = arith.constant 0 : i32
    %broadcast_in_dim3A_264 = vector.broadcast %jit3A_262 : i32 to vector<128x128xi32>
    %broadcast_in_dim3A_265 = vector.broadcast %jit3A_263 : i32 to vector<128x128xi32>
    %select_n3A_266 = arith.select %gt3A_261, %broadcast_in_dim3A_264, %broadcast_in_dim3A_265 : vector<128x128xi1>, vector<128x128xi32>
    %or3A_267 = arith.ori %or3A_257, %select_n3A_266 : vector<128x128xi32>
    %swap3A_268 = arith.constant 0 : index
    %swap3A_269 = arith.constant 384 : index
    %swap3A_270 = arith.constant 0 : index
    %swap3A_271 = vector.load %arg8[%swap3A_268, %swap3A_269, %swap3A_270] : memref<4x512x128xi32, #tpu.memory_space<vmem>>, vector<1x128x128xi32>
    %swap3A_272 = vector.shape_cast %swap3A_271 : vector<1x128x128xi32> to vector<128x128xi32>
    %swap3A_273 = vector.shape_cast %or3A_267 : vector<128x128xi32> to vector<1x128x128xi32>
    tpu.vector_store %arg8[%swap3A_268, %swap3A_269, %swap3A_270], %swap3A_273 {strides = array<i32>} : memref<4x512x128xi32, #tpu.memory_space<vmem>>, vector<1x128x128xi32>,
    %get3A_274 = arith.constant 0 : index
    %get3A_275 = arith.constant 0 : index
    %get3A_276 = vector.load %arg7[%get3A_274, %get3A_275] : memref<512x64xbf16, #tpu.memory_space<vmem>>, vector<128x64xbf16>
    %slice3A_277 = vector.extract_strided_slice %convert_element_type3A_38 {offsets = [128, 0], sizes = [64, 512], strides = [1, 1]} : vector<512x512xbf16> to vector<64x512xbf16>
    %dot_general3A_278 = arith.constant dense<0.000000e+00> : vector<128x512xf32>
    %dot_general3A_279 = tpu.matmul %get3A_276, %slice3A_277, %dot_general3A_278 {dimension_numbers = #tpu.dot_dimension_numbers<[1], [0], [0], [1], [0, 0, 1, 1], [], []>, transpose_lhs_hint = false} : vector<128x64xbf16>, vector<64x512xbf16>, vector<128x512xf32> -> vector<128x512xf32>
    %slice3A_280 = vector.extract_strided_slice %convert_element_type3A_41 {offsets = [128, 0], sizes = [64, 512], strides = [1, 1]} : vector<512x512xbf16> to vector<64x512xbf16>
    %dot_general3A_281 = arith.constant dense<0.000000e+00> : vector<128x512xf32>
    %dot_general3A_282 = tpu.matmul %get3A_276, %slice3A_280, %dot_general3A_281 {dimension_numbers = #tpu.dot_dimension_numbers<[1], [0], [0], [1], [0, 0, 1, 1], [], []>, transpose_lhs_hint = false} : vector<128x64xbf16>, vector<64x512xbf16>, vector<128x512xf32> -> vector<128x512xf32>
    %add3A_283 = arith.addf %dot_general3A_279, %dot_general3A_282 : vector<128x512xf32>
    %slice3A_284 = vector.extract_strided_slice %convert_element_type3A_44 {offsets = [128, 0], sizes = [64, 512], strides = [1, 1]} : vector<512x512xbf16> to vector<64x512xbf16>
    %dot_general3A_285 = arith.constant dense<0.000000e+00> : vector<128x512xf32>
    %dot_general3A_286 = tpu.matmul %get3A_276, %slice3A_284, %dot_general3A_285 {dimension_numbers = #tpu.dot_dimension_numbers<[1], [0], [0], [1], [0, 0, 1, 1], [], []>, transpose_lhs_hint = false} : vector<128x64xbf16>, vector<64x512xbf16>, vector<128x512xf32> -> vector<128x512xf32>
    %add3A_287 = arith.addf %add3A_283, %dot_general3A_286 : vector<128x512xf32>
    %slice3A_288 = vector.extract_strided_slice %add3A_287 {offsets = [0, 0], sizes = [128, 128], strides = [1, 1]} : vector<128x512xf32> to vector<128x128xf32>
    %gt3A_289 = arith.constant 5.000000e-01 : f32
    %gt3A_290 = vector.broadcast %gt3A_289 : f32 to vector<128x128xf32>
    %gt3A_291 = arith.cmpf ogt, %slice3A_288, %gt3A_290 : vector<128x128xf32>
    %jit3A_292 = arith.constant 1 : i32
    %jit3A_293 = arith.constant 0 : i32
    %broadcast_in_dim3A_294 = vector.broadcast %jit3A_292 : i32 to vector<128x128xi32>
    %broadcast_in_dim3A_295 = vector.broadcast %jit3A_293 : i32 to vector<128x128xi32>
    %select_n3A_296 = arith.select %gt3A_291, %broadcast_in_dim3A_294, %broadcast_in_dim3A_295 : vector<128x128xi1>, vector<128x128xi32>
    %slice3A_297 = vector.extract_strided_slice %add3A_287 {offsets = [0, 128], sizes = [128, 128], strides = [1, 1]} : vector<128x512xf32> to vector<128x128xf32>
    %gt3A_298 = arith.constant 5.000000e-01 : f32
    %gt3A_299 = vector.broadcast %gt3A_298 : f32 to vector<128x128xf32>
    %gt3A_300 = arith.cmpf ogt, %slice3A_297, %gt3A_299 : vector<128x128xf32>
    %jit3A_301 = arith.constant 256 : i32
    %jit3A_302 = arith.constant 0 : i32
    %broadcast_in_dim3A_303 = vector.broadcast %jit3A_301 : i32 to vector<128x128xi32>
    %broadcast_in_dim3A_304 = vector.broadcast %jit3A_302 : i32 to vector<128x128xi32>
    %select_n3A_305 = arith.select %gt3A_300, %broadcast_in_dim3A_303, %broadcast_in_dim3A_304 : vector<128x128xi1>, vector<128x128xi32>
    %or3A_306 = arith.ori %select_n3A_296, %select_n3A_305 : vector<128x128xi32>
    %slice3A_307 = vector.extract_strided_slice %add3A_287 {offsets = [0, 256], sizes = [128, 128], strides = [1, 1]} : vector<128x512xf32> to vector<128x128xf32>
    %gt3A_308 = arith.constant 5.000000e-01 : f32
    %gt3A_309 = vector.broadcast %gt3A_308 : f32 to vector<128x128xf32>
    %gt3A_310 = arith.cmpf ogt, %slice3A_307, %gt3A_309 : vector<128x128xf32>
    %jit3A_311 = arith.constant 65536 : i32
    %jit3A_312 = arith.constant 0 : i32
    %broadcast_in_dim3A_313 = vector.broadcast %jit3A_311 : i32 to vector<128x128xi32>
    %broadcast_in_dim3A_314 = vector.broadcast %jit3A_312 : i32 to vector<128x128xi32>
    %select_n3A_315 = arith.select %gt3A_310, %broadcast_in_dim3A_313, %broadcast_in_dim3A_314 : vector<128x128xi1>, vector<128x128xi32>
    %or3A_316 = arith.ori %or3A_306, %select_n3A_315 : vector<128x128xi32>
    %slice3A_317 = vector.extract_strided_slice %add3A_287 {offsets = [0, 384], sizes = [128, 128], strides = [1, 1]} : vector<128x512xf32> to vector<128x128xf32>
    %gt3A_318 = arith.constant 5.000000e-01 : f32
    %gt3A_319 = vector.broadcast %gt3A_318 : f32 to vector<128x128xf32>
    %gt3A_320 = arith.cmpf ogt, %slice3A_317, %gt3A_319 : vector<128x128xf32>
    %jit3A_321 = arith.constant 16777216 : i32
    %jit3A_322 = arith.constant 0 : i32
    %broadcast_in_dim3A_323 = vector.broadcast %jit3A_321 : i32 to vector<128x128xi32>
    %broadcast_in_dim3A_324 = vector.broadcast %jit3A_322 : i32 to vector<128x128xi32>
    %select_n3A_325 = arith.select %gt3A_320, %broadcast_in_dim3A_323, %broadcast_in_dim3A_324 : vector<128x128xi1>, vector<128x128xi32>
    %or3A_326 = arith.ori %or3A_316, %select_n3A_325 : vector<128x128xi32>
    %swap3A_327 = arith.constant 1 : index
    %swap3A_328 = arith.constant 0 : index
    %swap3A_329 = arith.constant 0 : index
    %swap3A_330 = vector.load %arg8[%swap3A_327, %swap3A_328, %swap3A_329] : memref<4x512x128xi32, #tpu.memory_space<vmem>>, vector<1x128x128xi32>
    %swap3A_331 = vector.shape_cast %swap3A_330 : vector<1x128x128xi32> to vector<128x128xi32>
    %swap3A_332 = vector.shape_cast %or3A_326 : vector<128x128xi32> to vector<1x128x128xi32>
    tpu.vector_store %arg8[%swap3A_327, %swap3A_328, %swap3A_329], %swap3A_332 {strides = array<i32>} : memref<4x512x128xi32, #tpu.memory_space<vmem>>, vector<1x128x128xi32>,
    %get3A_333 = arith.constant 128 : index
    %get3A_334 = arith.constant 0 : index
    %get3A_335 = vector.load %arg7[%get3A_333, %get3A_334] : memref<512x64xbf16, #tpu.memory_space<vmem>>, vector<128x64xbf16>
    %slice3A_336 = vector.extract_strided_slice %convert_element_type3A_38 {offsets = [144, 0], sizes = [64, 512], strides = [1, 1]} : vector<512x512xbf16> to vector<64x512xbf16>
    %dot_general3A_337 = arith.constant dense<0.000000e+00> : vector<128x512xf32>
    %dot_general3A_338 = tpu.matmul %get3A_335, %slice3A_336, %dot_general3A_337 {dimension_numbers = #tpu.dot_dimension_numbers<[1], [0], [0], [1], [0, 0, 1, 1], [], []>, transpose_lhs_hint = false} : vector<128x64xbf16>, vector<64x512xbf16>, vector<128x512xf32> -> vector<128x512xf32>
    %slice3A_339 = vector.extract_strided_slice %convert_element_type3A_41 {offsets = [144, 0], sizes = [64, 512], strides = [1, 1]} : vector<512x512xbf16> to vector<64x512xbf16>
    %dot_general3A_340 = arith.constant dense<0.000000e+00> : vector<128x512xf32>
    %dot_general3A_341 = tpu.matmul %get3A_335, %slice3A_339, %dot_general3A_340 {dimension_numbers = #tpu.dot_dimension_numbers<[1], [0], [0], [1], [0, 0, 1, 1], [], []>, transpose_lhs_hint = false} : vector<128x64xbf16>, vector<64x512xbf16>, vector<128x512xf32> -> vector<128x512xf32>
    %add3A_342 = arith.addf %dot_general3A_338, %dot_general3A_341 : vector<128x512xf32>
    %slice3A_343 = vector.extract_strided_slice %convert_element_type3A_44 {offsets = [144, 0], sizes = [64, 512], strides = [1, 1]} : vector<512x512xbf16> to vector<64x512xbf16>
    %dot_general3A_344 = arith.constant dense<0.000000e+00> : vector<128x512xf32>
    %dot_general3A_345 = tpu.matmul %get3A_335, %slice3A_343, %dot_general3A_344 {dimension_numbers = #tpu.dot_dimension_numbers<[1], [0], [0], [1], [0, 0, 1, 1], [], []>, transpose_lhs_hint = false} : vector<128x64xbf16>, vector<64x512xbf16>, vector<128x512xf32> -> vector<128x512xf32>
    %add3A_346 = arith.addf %add3A_342, %dot_general3A_345 : vector<128x512xf32>
    %slice3A_347 = vector.extract_strided_slice %add3A_346 {offsets = [0, 0], sizes = [128, 128], strides = [1, 1]} : vector<128x512xf32> to vector<128x128xf32>
    %gt3A_348 = arith.constant 5.000000e-01 : f32
    %gt3A_349 = vector.broadcast %gt3A_348 : f32 to vector<128x128xf32>
    %gt3A_350 = arith.cmpf ogt, %slice3A_347, %gt3A_349 : vector<128x128xf32>
    %jit3A_351 = arith.constant 1 : i32
    %jit3A_352 = arith.constant 0 : i32
    %broadcast_in_dim3A_353 = vector.broadcast %jit3A_351 : i32 to vector<128x128xi32>
    %broadcast_in_dim3A_354 = vector.broadcast %jit3A_352 : i32 to vector<128x128xi32>
    %select_n3A_355 = arith.select %gt3A_350, %broadcast_in_dim3A_353, %broadcast_in_dim3A_354 : vector<128x128xi1>, vector<128x128xi32>
    %slice3A_356 = vector.extract_strided_slice %add3A_346 {offsets = [0, 128], sizes = [128, 128], strides = [1, 1]} : vector<128x512xf32> to vector<128x128xf32>
    %gt3A_357 = arith.constant 5.000000e-01 : f32
    %gt3A_358 = vector.broadcast %gt3A_357 : f32 to vector<128x128xf32>
    %gt3A_359 = arith.cmpf ogt, %slice3A_356, %gt3A_358 : vector<128x128xf32>
    %jit3A_360 = arith.constant 256 : i32
    %jit3A_361 = arith.constant 0 : i32
    %broadcast_in_dim3A_362 = vector.broadcast %jit3A_360 : i32 to vector<128x128xi32>
    %broadcast_in_dim3A_363 = vector.broadcast %jit3A_361 : i32 to vector<128x128xi32>
    %select_n3A_364 = arith.select %gt3A_359, %broadcast_in_dim3A_362, %broadcast_in_dim3A_363 : vector<128x128xi1>, vector<128x128xi32>
    %or3A_365 = arith.ori %select_n3A_355, %select_n3A_364 : vector<128x128xi32>
    %slice3A_366 = vector.extract_strided_slice %add3A_346 {offsets = [0, 256], sizes = [128, 128], strides = [1, 1]} : vector<128x512xf32> to vector<128x128xf32>
    %gt3A_367 = arith.constant 5.000000e-01 : f32
    %gt3A_368 = vector.broadcast %gt3A_367 : f32 to vector<128x128xf32>
    %gt3A_369 = arith.cmpf ogt, %slice3A_366, %gt3A_368 : vector<128x128xf32>
    %jit3A_370 = arith.constant 65536 : i32
    %jit3A_371 = arith.constant 0 : i32
    %broadcast_in_dim3A_372 = vector.broadcast %jit3A_370 : i32 to vector<128x128xi32>
    %broadcast_in_dim3A_373 = vector.broadcast %jit3A_371 : i32 to vector<128x128xi32>
    %select_n3A_374 = arith.select %gt3A_369, %broadcast_in_dim3A_372, %broadcast_in_dim3A_373 : vector<128x128xi1>, vector<128x128xi32>
    %or3A_375 = arith.ori %or3A_365, %select_n3A_374 : vector<128x128xi32>
    %slice3A_376 = vector.extract_strided_slice %add3A_346 {offsets = [0, 384], sizes = [128, 128], strides = [1, 1]} : vector<128x512xf32> to vector<128x128xf32>
    %gt3A_377 = arith.constant 5.000000e-01 : f32
    %gt3A_378 = vector.broadcast %gt3A_377 : f32 to vector<128x128xf32>
    %gt3A_379 = arith.cmpf ogt, %slice3A_376, %gt3A_378 : vector<128x128xf32>
    %jit3A_380 = arith.constant 16777216 : i32
    %jit3A_381 = arith.constant 0 : i32
    %broadcast_in_dim3A_382 = vector.broadcast %jit3A_380 : i32 to vector<128x128xi32>
    %broadcast_in_dim3A_383 = vector.broadcast %jit3A_381 : i32 to vector<128x128xi32>
    %select_n3A_384 = arith.select %gt3A_379, %broadcast_in_dim3A_382, %broadcast_in_dim3A_383 : vector<128x128xi1>, vector<128x128xi32>
    %or3A_385 = arith.ori %or3A_375, %select_n3A_384 : vector<128x128xi32>
    %swap3A_386 = arith.constant 1 : index
    %swap3A_387 = arith.constant 128 : index
    %swap3A_388 = arith.constant 0 : index
    %swap3A_389 = vector.load %arg8[%swap3A_386, %swap3A_387, %swap3A_388] : memref<4x512x128xi32, #tpu.memory_space<vmem>>, vector<1x128x128xi32>
    %swap3A_390 = vector.shape_cast %swap3A_389 : vector<1x128x128xi32> to vector<128x128xi32>
    %swap3A_391 = vector.shape_cast %or3A_385 : vector<128x128xi32> to vector<1x128x128xi32>
    tpu.vector_store %arg8[%swap3A_386, %swap3A_387, %swap3A_388], %swap3A_391 {strides = array<i32>} : memref<4x512x128xi32, #tpu.memory_space<vmem>>, vector<1x128x128xi32>,
    %get3A_392 = arith.constant 256 : index
    %get3A_393 = arith.constant 0 : index
    %get3A_394 = vector.load %arg7[%get3A_392, %get3A_393] : memref<512x64xbf16, #tpu.memory_space<vmem>>, vector<128x64xbf16>
    %slice3A_395 = vector.extract_strided_slice %convert_element_type3A_38 {offsets = [176, 0], sizes = [64, 512], strides = [1, 1]} : vector<512x512xbf16> to vector<64x512xbf16>
    %dot_general3A_396 = arith.constant dense<0.000000e+00> : vector<128x512xf32>
    %dot_general3A_397 = tpu.matmul %get3A_394, %slice3A_395, %dot_general3A_396 {dimension_numbers = #tpu.dot_dimension_numbers<[1], [0], [0], [1], [0, 0, 1, 1], [], []>, transpose_lhs_hint = false} : vector<128x64xbf16>, vector<64x512xbf16>, vector<128x512xf32> -> vector<128x512xf32>
    %slice3A_398 = vector.extract_strided_slice %convert_element_type3A_41 {offsets = [176, 0], sizes = [64, 512], strides = [1, 1]} : vector<512x512xbf16> to vector<64x512xbf16>
    %dot_general3A_399 = arith.constant dense<0.000000e+00> : vector<128x512xf32>
    %dot_general3A_400 = tpu.matmul %get3A_394, %slice3A_398, %dot_general3A_399 {dimension_numbers = #tpu.dot_dimension_numbers<[1], [0], [0], [1], [0, 0, 1, 1], [], []>, transpose_lhs_hint = false} : vector<128x64xbf16>, vector<64x512xbf16>, vector<128x512xf32> -> vector<128x512xf32>
    %add3A_401 = arith.addf %dot_general3A_397, %dot_general3A_400 : vector<128x512xf32>
    %slice3A_402 = vector.extract_strided_slice %convert_element_type3A_44 {offsets = [176, 0], sizes = [64, 512], strides = [1, 1]} : vector<512x512xbf16> to vector<64x512xbf16>
    %dot_general3A_403 = arith.constant dense<0.000000e+00> : vector<128x512xf32>
    %dot_general3A_404 = tpu.matmul %get3A_394, %slice3A_402, %dot_general3A_403 {dimension_numbers = #tpu.dot_dimension_numbers<[1], [0], [0], [1], [0, 0, 1, 1], [], []>, transpose_lhs_hint = false} : vector<128x64xbf16>, vector<64x512xbf16>, vector<128x512xf32> -> vector<128x512xf32>
    %add3A_405 = arith.addf %add3A_401, %dot_general3A_404 : vector<128x512xf32>
    %slice3A_406 = vector.extract_strided_slice %add3A_405 {offsets = [0, 0], sizes = [128, 128], strides = [1, 1]} : vector<128x512xf32> to vector<128x128xf32>
    %gt3A_407 = arith.constant 5.000000e-01 : f32
    %gt3A_408 = vector.broadcast %gt3A_407 : f32 to vector<128x128xf32>
    %gt3A_409 = arith.cmpf ogt, %slice3A_406, %gt3A_408 : vector<128x128xf32>
    %jit3A_410 = arith.constant 1 : i32
    %jit3A_411 = arith.constant 0 : i32
    %broadcast_in_dim3A_412 = vector.broadcast %jit3A_410 : i32 to vector<128x128xi32>
    %broadcast_in_dim3A_413 = vector.broadcast %jit3A_411 : i32 to vector<128x128xi32>
    %select_n3A_414 = arith.select %gt3A_409, %broadcast_in_dim3A_412, %broadcast_in_dim3A_413 : vector<128x128xi1>, vector<128x128xi32>
    %slice3A_415 = vector.extract_strided_slice %add3A_405 {offsets = [0, 128], sizes = [128, 128], strides = [1, 1]} : vector<128x512xf32> to vector<128x128xf32>
    %gt3A_416 = arith.constant 5.000000e-01 : f32
    %gt3A_417 = vector.broadcast %gt3A_416 : f32 to vector<128x128xf32>
    %gt3A_418 = arith.cmpf ogt, %slice3A_415, %gt3A_417 : vector<128x128xf32>
    %jit3A_419 = arith.constant 256 : i32
    %jit3A_420 = arith.constant 0 : i32
    %broadcast_in_dim3A_421 = vector.broadcast %jit3A_419 : i32 to vector<128x128xi32>
    %broadcast_in_dim3A_422 = vector.broadcast %jit3A_420 : i32 to vector<128x128xi32>
    %select_n3A_423 = arith.select %gt3A_418, %broadcast_in_dim3A_421, %broadcast_in_dim3A_422 : vector<128x128xi1>, vector<128x128xi32>
    %or3A_424 = arith.ori %select_n3A_414, %select_n3A_423 : vector<128x128xi32>
    %slice3A_425 = vector.extract_strided_slice %add3A_405 {offsets = [0, 256], sizes = [128, 128], strides = [1, 1]} : vector<128x512xf32> to vector<128x128xf32>
    %gt3A_426 = arith.constant 5.000000e-01 : f32
    %gt3A_427 = vector.broadcast %gt3A_426 : f32 to vector<128x128xf32>
    %gt3A_428 = arith.cmpf ogt, %slice3A_425, %gt3A_427 : vector<128x128xf32>
    %jit3A_429 = arith.constant 65536 : i32
    %jit3A_430 = arith.constant 0 : i32
    %broadcast_in_dim3A_431 = vector.broadcast %jit3A_429 : i32 to vector<128x128xi32>
    %broadcast_in_dim3A_432 = vector.broadcast %jit3A_430 : i32 to vector<128x128xi32>
    %select_n3A_433 = arith.select %gt3A_428, %broadcast_in_dim3A_431, %broadcast_in_dim3A_432 : vector<128x128xi1>, vector<128x128xi32>
    %or3A_434 = arith.ori %or3A_424, %select_n3A_433 : vector<128x128xi32>
    %slice3A_435 = vector.extract_strided_slice %add3A_405 {offsets = [0, 384], sizes = [128, 128], strides = [1, 1]} : vector<128x512xf32> to vector<128x128xf32>
    %gt3A_436 = arith.constant 5.000000e-01 : f32
    %gt3A_437 = vector.broadcast %gt3A_436 : f32 to vector<128x128xf32>
    %gt3A_438 = arith.cmpf ogt, %slice3A_435, %gt3A_437 : vector<128x128xf32>
    %jit3A_439 = arith.constant 16777216 : i32
    %jit3A_440 = arith.constant 0 : i32
    %broadcast_in_dim3A_441 = vector.broadcast %jit3A_439 : i32 to vector<128x128xi32>
    %broadcast_in_dim3A_442 = vector.broadcast %jit3A_440 : i32 to vector<128x128xi32>
    %select_n3A_443 = arith.select %gt3A_438, %broadcast_in_dim3A_441, %broadcast_in_dim3A_442 : vector<128x128xi1>, vector<128x128xi32>
    %or3A_444 = arith.ori %or3A_434, %select_n3A_443 : vector<128x128xi32>
    %swap3A_445 = arith.constant 1 : index
    %swap3A_446 = arith.constant 256 : index
    %swap3A_447 = arith.constant 0 : index
    %swap3A_448 = vector.load %arg8[%swap3A_445, %swap3A_446, %swap3A_447] : memref<4x512x128xi32, #tpu.memory_space<vmem>>, vector<1x128x128xi32>
    %swap3A_449 = vector.shape_cast %swap3A_448 : vector<1x128x128xi32> to vector<128x128xi32>
    %swap3A_450 = vector.shape_cast %or3A_444 : vector<128x128xi32> to vector<1x128x128xi32>
    tpu.vector_store %arg8[%swap3A_445, %swap3A_446, %swap3A_447], %swap3A_450 {strides = array<i32>} : memref<4x512x128xi32, #tpu.memory_space<vmem>>, vector<1x128x128xi32>,
    %get3A_451 = arith.constant 384 : index
    %get3A_452 = arith.constant 0 : index
    %get3A_453 = vector.load %arg7[%get3A_451, %get3A_452] : memref<512x64xbf16, #tpu.memory_space<vmem>>, vector<128x64xbf16>
    %slice3A_454 = vector.extract_strided_slice %convert_element_type3A_38 {offsets = [192, 0], sizes = [64, 512], strides = [1, 1]} : vector<512x512xbf16> to vector<64x512xbf16>
    %dot_general3A_455 = arith.constant dense<0.000000e+00> : vector<128x512xf32>
    %dot_general3A_456 = tpu.matmul %get3A_453, %slice3A_454, %dot_general3A_455 {dimension_numbers = #tpu.dot_dimension_numbers<[1], [0], [0], [1], [0, 0, 1, 1], [], []>, transpose_lhs_hint = false} : vector<128x64xbf16>, vector<64x512xbf16>, vector<128x512xf32> -> vector<128x512xf32>
    %slice3A_457 = vector.extract_strided_slice %convert_element_type3A_41 {offsets = [192, 0], sizes = [64, 512], strides = [1, 1]} : vector<512x512xbf16> to vector<64x512xbf16>
    %dot_general3A_458 = arith.constant dense<0.000000e+00> : vector<128x512xf32>
    %dot_general3A_459 = tpu.matmul %get3A_453, %slice3A_457, %dot_general3A_458 {dimension_numbers = #tpu.dot_dimension_numbers<[1], [0], [0], [1], [0, 0, 1, 1], [], []>, transpose_lhs_hint = false} : vector<128x64xbf16>, vector<64x512xbf16>, vector<128x512xf32> -> vector<128x512xf32>
    %add3A_460 = arith.addf %dot_general3A_456, %dot_general3A_459 : vector<128x512xf32>
    %slice3A_461 = vector.extract_strided_slice %convert_element_type3A_44 {offsets = [192, 0], sizes = [64, 512], strides = [1, 1]} : vector<512x512xbf16> to vector<64x512xbf16>
    %dot_general3A_462 = arith.constant dense<0.000000e+00> : vector<128x512xf32>
    %dot_general3A_463 = tpu.matmul %get3A_453, %slice3A_461, %dot_general3A_462 {dimension_numbers = #tpu.dot_dimension_numbers<[1], [0], [0], [1], [0, 0, 1, 1], [], []>, transpose_lhs_hint = false} : vector<128x64xbf16>, vector<64x512xbf16>, vector<128x512xf32> -> vector<128x512xf32>
    %add3A_464 = arith.addf %add3A_460, %dot_general3A_463 : vector<128x512xf32>
    %slice3A_465 = vector.extract_strided_slice %add3A_464 {offsets = [0, 0], sizes = [128, 128], strides = [1, 1]} : vector<128x512xf32> to vector<128x128xf32>
    %gt3A_466 = arith.constant 5.000000e-01 : f32
    %gt3A_467 = vector.broadcast %gt3A_466 : f32 to vector<128x128xf32>
    %gt3A_468 = arith.cmpf ogt, %slice3A_465, %gt3A_467 : vector<128x128xf32>
    %jit3A_469 = arith.constant 1 : i32
    %jit3A_470 = arith.constant 0 : i32
    %broadcast_in_dim3A_471 = vector.broadcast %jit3A_469 : i32 to vector<128x128xi32>
    %broadcast_in_dim3A_472 = vector.broadcast %jit3A_470 : i32 to vector<128x128xi32>
    %select_n3A_473 = arith.select %gt3A_468, %broadcast_in_dim3A_471, %broadcast_in_dim3A_472 : vector<128x128xi1>, vector<128x128xi32>
    %slice3A_474 = vector.extract_strided_slice %add3A_464 {offsets = [0, 128], sizes = [128, 128], strides = [1, 1]} : vector<128x512xf32> to vector<128x128xf32>
    %gt3A_475 = arith.constant 5.000000e-01 : f32
    %gt3A_476 = vector.broadcast %gt3A_475 : f32 to vector<128x128xf32>
    %gt3A_477 = arith.cmpf ogt, %slice3A_474, %gt3A_476 : vector<128x128xf32>
    %jit3A_478 = arith.constant 256 : i32
    %jit3A_479 = arith.constant 0 : i32
    %broadcast_in_dim3A_480 = vector.broadcast %jit3A_478 : i32 to vector<128x128xi32>
    %broadcast_in_dim3A_481 = vector.broadcast %jit3A_479 : i32 to vector<128x128xi32>
    %select_n3A_482 = arith.select %gt3A_477, %broadcast_in_dim3A_480, %broadcast_in_dim3A_481 : vector<128x128xi1>, vector<128x128xi32>
    %or3A_483 = arith.ori %select_n3A_473, %select_n3A_482 : vector<128x128xi32>
    %slice3A_484 = vector.extract_strided_slice %add3A_464 {offsets = [0, 256], sizes = [128, 128], strides = [1, 1]} : vector<128x512xf32> to vector<128x128xf32>
    %gt3A_485 = arith.constant 5.000000e-01 : f32
    %gt3A_486 = vector.broadcast %gt3A_485 : f32 to vector<128x128xf32>
    %gt3A_487 = arith.cmpf ogt, %slice3A_484, %gt3A_486 : vector<128x128xf32>
    %jit3A_488 = arith.constant 65536 : i32
    %jit3A_489 = arith.constant 0 : i32
    %broadcast_in_dim3A_490 = vector.broadcast %jit3A_488 : i32 to vector<128x128xi32>
    %broadcast_in_dim3A_491 = vector.broadcast %jit3A_489 : i32 to vector<128x128xi32>
    %select_n3A_492 = arith.select %gt3A_487, %broadcast_in_dim3A_490, %broadcast_in_dim3A_491 : vector<128x128xi1>, vector<128x128xi32>
    %or3A_493 = arith.ori %or3A_483, %select_n3A_492 : vector<128x128xi32>
    %slice3A_494 = vector.extract_strided_slice %add3A_464 {offsets = [0, 384], sizes = [128, 128], strides = [1, 1]} : vector<128x512xf32> to vector<128x128xf32>
    %gt3A_495 = arith.constant 5.000000e-01 : f32
    %gt3A_496 = vector.broadcast %gt3A_495 : f32 to vector<128x128xf32>
    %gt3A_497 = arith.cmpf ogt, %slice3A_494, %gt3A_496 : vector<128x128xf32>
    %jit3A_498 = arith.constant 16777216 : i32
    %jit3A_499 = arith.constant 0 : i32
    %broadcast_in_dim3A_500 = vector.broadcast %jit3A_498 : i32 to vector<128x128xi32>
    %broadcast_in_dim3A_501 = vector.broadcast %jit3A_499 : i32 to vector<128x128xi32>
    %select_n3A_502 = arith.select %gt3A_497, %broadcast_in_dim3A_500, %broadcast_in_dim3A_501 : vector<128x128xi1>, vector<128x128xi32>
    %or3A_503 = arith.ori %or3A_493, %select_n3A_502 : vector<128x128xi32>
    %swap3A_504 = arith.constant 1 : index
    %swap3A_505 = arith.constant 384 : index
    %swap3A_506 = arith.constant 0 : index
    %swap3A_507 = vector.load %arg8[%swap3A_504, %swap3A_505, %swap3A_506] : memref<4x512x128xi32, #tpu.memory_space<vmem>>, vector<1x128x128xi32>
    %swap3A_508 = vector.shape_cast %swap3A_507 : vector<1x128x128xi32> to vector<128x128xi32>
    %swap3A_509 = vector.shape_cast %or3A_503 : vector<128x128xi32> to vector<1x128x128xi32>
    tpu.vector_store %arg8[%swap3A_504, %swap3A_505, %swap3A_506], %swap3A_509 {strides = array<i32>} : memref<4x512x128xi32, #tpu.memory_space<vmem>>, vector<1x128x128xi32>,
    %get3A_510 = arith.constant 0 : index
    %get3A_511 = arith.constant 0 : index
    %get3A_512 = vector.load %arg7[%get3A_510, %get3A_511] : memref<512x64xbf16, #tpu.memory_space<vmem>>, vector<128x64xbf16>
    %slice3A_513 = vector.extract_strided_slice %convert_element_type3A_38 {offsets = [256, 0], sizes = [64, 512], strides = [1, 1]} : vector<512x512xbf16> to vector<64x512xbf16>
    %dot_general3A_514 = arith.constant dense<0.000000e+00> : vector<128x512xf32>
    %dot_general3A_515 = tpu.matmul %get3A_512, %slice3A_513, %dot_general3A_514 {dimension_numbers = #tpu.dot_dimension_numbers<[1], [0], [0], [1], [0, 0, 1, 1], [], []>, transpose_lhs_hint = false} : vector<128x64xbf16>, vector<64x512xbf16>, vector<128x512xf32> -> vector<128x512xf32>
    %slice3A_516 = vector.extract_strided_slice %convert_element_type3A_41 {offsets = [256, 0], sizes = [64, 512], strides = [1, 1]} : vector<512x512xbf16> to vector<64x512xbf16>
    %dot_general3A_517 = arith.constant dense<0.000000e+00> : vector<128x512xf32>
    %dot_general3A_518 = tpu.matmul %get3A_512, %slice3A_516, %dot_general3A_517 {dimension_numbers = #tpu.dot_dimension_numbers<[1], [0], [0], [1], [0, 0, 1, 1], [], []>, transpose_lhs_hint = false} : vector<128x64xbf16>, vector<64x512xbf16>, vector<128x512xf32> -> vector<128x512xf32>
    %add3A_519 = arith.addf %dot_general3A_515, %dot_general3A_518 : vector<128x512xf32>
    %slice3A_520 = vector.extract_strided_slice %convert_element_type3A_44 {offsets = [256, 0], sizes = [64, 512], strides = [1, 1]} : vector<512x512xbf16> to vector<64x512xbf16>
    %dot_general3A_521 = arith.constant dense<0.000000e+00> : vector<128x512xf32>
    %dot_general3A_522 = tpu.matmul %get3A_512, %slice3A_520, %dot_general3A_521 {dimension_numbers = #tpu.dot_dimension_numbers<[1], [0], [0], [1], [0, 0, 1, 1], [], []>, transpose_lhs_hint = false} : vector<128x64xbf16>, vector<64x512xbf16>, vector<128x512xf32> -> vector<128x512xf32>
    %add3A_523 = arith.addf %add3A_519, %dot_general3A_522 : vector<128x512xf32>
    %slice3A_524 = vector.extract_strided_slice %add3A_523 {offsets = [0, 0], sizes = [128, 128], strides = [1, 1]} : vector<128x512xf32> to vector<128x128xf32>
    %gt3A_525 = arith.constant 5.000000e-01 : f32
    %gt3A_526 = vector.broadcast %gt3A_525 : f32 to vector<128x128xf32>
    %gt3A_527 = arith.cmpf ogt, %slice3A_524, %gt3A_526 : vector<128x128xf32>
    %jit3A_528 = arith.constant 1 : i32
    %jit3A_529 = arith.constant 0 : i32
    %broadcast_in_dim3A_530 = vector.broadcast %jit3A_528 : i32 to vector<128x128xi32>
    %broadcast_in_dim3A_531 = vector.broadcast %jit3A_529 : i32 to vector<128x128xi32>
    %select_n3A_532 = arith.select %gt3A_527, %broadcast_in_dim3A_530, %broadcast_in_dim3A_531 : vector<128x128xi1>, vector<128x128xi32>
    %slice3A_533 = vector.extract_strided_slice %add3A_523 {offsets = [0, 128], sizes = [128, 128], strides = [1, 1]} : vector<128x512xf32> to vector<128x128xf32>
    %gt3A_534 = arith.constant 5.000000e-01 : f32
    %gt3A_535 = vector.broadcast %gt3A_534 : f32 to vector<128x128xf32>
    %gt3A_536 = arith.cmpf ogt, %slice3A_533, %gt3A_535 : vector<128x128xf32>
    %jit3A_537 = arith.constant 256 : i32
    %jit3A_538 = arith.constant 0 : i32
    %broadcast_in_dim3A_539 = vector.broadcast %jit3A_537 : i32 to vector<128x128xi32>
    %broadcast_in_dim3A_540 = vector.broadcast %jit3A_538 : i32 to vector<128x128xi32>
    %select_n3A_541 = arith.select %gt3A_536, %broadcast_in_dim3A_539, %broadcast_in_dim3A_540 : vector<128x128xi1>, vector<128x128xi32>
    %or3A_542 = arith.ori %select_n3A_532, %select_n3A_541 : vector<128x128xi32>
    %slice3A_543 = vector.extract_strided_slice %add3A_523 {offsets = [0, 256], sizes = [128, 128], strides = [1, 1]} : vector<128x512xf32> to vector<128x128xf32>
    %gt3A_544 = arith.constant 5.000000e-01 : f32
    %gt3A_545 = vector.broadcast %gt3A_544 : f32 to vector<128x128xf32>
    %gt3A_546 = arith.cmpf ogt, %slice3A_543, %gt3A_545 : vector<128x128xf32>
    %jit3A_547 = arith.constant 65536 : i32
    %jit3A_548 = arith.constant 0 : i32
    %broadcast_in_dim3A_549 = vector.broadcast %jit3A_547 : i32 to vector<128x128xi32>
    %broadcast_in_dim3A_550 = vector.broadcast %jit3A_548 : i32 to vector<128x128xi32>
    %select_n3A_551 = arith.select %gt3A_546, %broadcast_in_dim3A_549, %broadcast_in_dim3A_550 : vector<128x128xi1>, vector<128x128xi32>
    %or3A_552 = arith.ori %or3A_542, %select_n3A_551 : vector<128x128xi32>
    %slice3A_553 = vector.extract_strided_slice %add3A_523 {offsets = [0, 384], sizes = [128, 128], strides = [1, 1]} : vector<128x512xf32> to vector<128x128xf32>
    %gt3A_554 = arith.constant 5.000000e-01 : f32
    %gt3A_555 = vector.broadcast %gt3A_554 : f32 to vector<128x128xf32>
    %gt3A_556 = arith.cmpf ogt, %slice3A_553, %gt3A_555 : vector<128x128xf32>
    %jit3A_557 = arith.constant 16777216 : i32
    %jit3A_558 = arith.constant 0 : i32
    %broadcast_in_dim3A_559 = vector.broadcast %jit3A_557 : i32 to vector<128x128xi32>
    %broadcast_in_dim3A_560 = vector.broadcast %jit3A_558 : i32 to vector<128x128xi32>
    %select_n3A_561 = arith.select %gt3A_556, %broadcast_in_dim3A_559, %broadcast_in_dim3A_560 : vector<128x128xi1>, vector<128x128xi32>
    %or3A_562 = arith.ori %or3A_552, %select_n3A_561 : vector<128x128xi32>
    %swap3A_563 = arith.constant 2 : index
    %swap3A_564 = arith.constant 0 : index
    %swap3A_565 = arith.constant 0 : index
    %swap3A_566 = vector.load %arg8[%swap3A_563, %swap3A_564, %swap3A_565] : memref<4x512x128xi32, #tpu.memory_space<vmem>>, vector<1x128x128xi32>
    %swap3A_567 = vector.shape_cast %swap3A_566 : vector<1x128x128xi32> to vector<128x128xi32>
    %swap3A_568 = vector.shape_cast %or3A_562 : vector<128x128xi32> to vector<1x128x128xi32>
    tpu.vector_store %arg8[%swap3A_563, %swap3A_564, %swap3A_565], %swap3A_568 {strides = array<i32>} : memref<4x512x128xi32, #tpu.memory_space<vmem>>, vector<1x128x128xi32>,
    %get3A_569 = arith.constant 128 : index
    %get3A_570 = arith.constant 0 : index
    %get3A_571 = vector.load %arg7[%get3A_569, %get3A_570] : memref<512x64xbf16, #tpu.memory_space<vmem>>, vector<128x64xbf16>
    %slice3A_572 = vector.extract_strided_slice %convert_element_type3A_38 {offsets = [272, 0], sizes = [64, 512], strides = [1, 1]} : vector<512x512xbf16> to vector<64x512xbf16>
    %dot_general3A_573 = arith.constant dense<0.000000e+00> : vector<128x512xf32>
    %dot_general3A_574 = tpu.matmul %get3A_571, %slice3A_572, %dot_general3A_573 {dimension_numbers = #tpu.dot_dimension_numbers<[1], [0], [0], [1], [0, 0, 1, 1], [], []>, transpose_lhs_hint = false} : vector<128x64xbf16>, vector<64x512xbf16>, vector<128x512xf32> -> vector<128x512xf32>
    %slice3A_575 = vector.extract_strided_slice %convert_element_type3A_41 {offsets = [272, 0], sizes = [64, 512], strides = [1, 1]} : vector<512x512xbf16> to vector<64x512xbf16>
    %dot_general3A_576 = arith.constant dense<0.000000e+00> : vector<128x512xf32>
    %dot_general3A_577 = tpu.matmul %get3A_571, %slice3A_575, %dot_general3A_576 {dimension_numbers = #tpu.dot_dimension_numbers<[1], [0], [0], [1], [0, 0, 1, 1], [], []>, transpose_lhs_hint = false} : vector<128x64xbf16>, vector<64x512xbf16>, vector<128x512xf32> -> vector<128x512xf32>
    %add3A_578 = arith.addf %dot_general3A_574, %dot_general3A_577 : vector<128x512xf32>
    %slice3A_579 = vector.extract_strided_slice %convert_element_type3A_44 {offsets = [272, 0], sizes = [64, 512], strides = [1, 1]} : vector<512x512xbf16> to vector<64x512xbf16>
    %dot_general3A_580 = arith.constant dense<0.000000e+00> : vector<128x512xf32>
    %dot_general3A_581 = tpu.matmul %get3A_571, %slice3A_579, %dot_general3A_580 {dimension_numbers = #tpu.dot_dimension_numbers<[1], [0], [0], [1], [0, 0, 1, 1], [], []>, transpose_lhs_hint = false} : vector<128x64xbf16>, vector<64x512xbf16>, vector<128x512xf32> -> vector<128x512xf32>
    %add3A_582 = arith.addf %add3A_578, %dot_general3A_581 : vector<128x512xf32>
    %slice3A_583 = vector.extract_strided_slice %add3A_582 {offsets = [0, 0], sizes = [128, 128], strides = [1, 1]} : vector<128x512xf32> to vector<128x128xf32>
    %gt3A_584 = arith.constant 5.000000e-01 : f32
    %gt3A_585 = vector.broadcast %gt3A_584 : f32 to vector<128x128xf32>
    %gt3A_586 = arith.cmpf ogt, %slice3A_583, %gt3A_585 : vector<128x128xf32>
    %jit3A_587 = arith.constant 1 : i32
    %jit3A_588 = arith.constant 0 : i32
    %broadcast_in_dim3A_589 = vector.broadcast %jit3A_587 : i32 to vector<128x128xi32>
    %broadcast_in_dim3A_590 = vector.broadcast %jit3A_588 : i32 to vector<128x128xi32>
    %select_n3A_591 = arith.select %gt3A_586, %broadcast_in_dim3A_589, %broadcast_in_dim3A_590 : vector<128x128xi1>, vector<128x128xi32>
    %slice3A_592 = vector.extract_strided_slice %add3A_582 {offsets = [0, 128], sizes = [128, 128], strides = [1, 1]} : vector<128x512xf32> to vector<128x128xf32>
    %gt3A_593 = arith.constant 5.000000e-01 : f32
    %gt3A_594 = vector.broadcast %gt3A_593 : f32 to vector<128x128xf32>
    %gt3A_595 = arith.cmpf ogt, %slice3A_592, %gt3A_594 : vector<128x128xf32>
    %jit3A_596 = arith.constant 256 : i32
    %jit3A_597 = arith.constant 0 : i32
    %broadcast_in_dim3A_598 = vector.broadcast %jit3A_596 : i32 to vector<128x128xi32>
    %broadcast_in_dim3A_599 = vector.broadcast %jit3A_597 : i32 to vector<128x128xi32>
    %select_n3A_600 = arith.select %gt3A_595, %broadcast_in_dim3A_598, %broadcast_in_dim3A_599 : vector<128x128xi1>, vector<128x128xi32>
    %or3A_601 = arith.ori %select_n3A_591, %select_n3A_600 : vector<128x128xi32>
    %slice3A_602 = vector.extract_strided_slice %add3A_582 {offsets = [0, 256], sizes = [128, 128], strides = [1, 1]} : vector<128x512xf32> to vector<128x128xf32>
    %gt3A_603 = arith.constant 5.000000e-01 : f32
    %gt3A_604 = vector.broadcast %gt3A_603 : f32 to vector<128x128xf32>
    %gt3A_605 = arith.cmpf ogt, %slice3A_602, %gt3A_604 : vector<128x128xf32>
    %jit3A_606 = arith.constant 65536 : i32
    %jit3A_607 = arith.constant 0 : i32
    %broadcast_in_dim3A_608 = vector.broadcast %jit3A_606 : i32 to vector<128x128xi32>
    %broadcast_in_dim3A_609 = vector.broadcast %jit3A_607 : i32 to vector<128x128xi32>
    %select_n3A_610 = arith.select %gt3A_605, %broadcast_in_dim3A_608, %broadcast_in_dim3A_609 : vector<128x128xi1>, vector<128x128xi32>
    %or3A_611 = arith.ori %or3A_601, %select_n3A_610 : vector<128x128xi32>
    %slice3A_612 = vector.extract_strided_slice %add3A_582 {offsets = [0, 384], sizes = [128, 128], strides = [1, 1]} : vector<128x512xf32> to vector<128x128xf32>
    %gt3A_613 = arith.constant 5.000000e-01 : f32
    %gt3A_614 = vector.broadcast %gt3A_613 : f32 to vector<128x128xf32>
    %gt3A_615 = arith.cmpf ogt, %slice3A_612, %gt3A_614 : vector<128x128xf32>
    %jit3A_616 = arith.constant 16777216 : i32
    %jit3A_617 = arith.constant 0 : i32
    %broadcast_in_dim3A_618 = vector.broadcast %jit3A_616 : i32 to vector<128x128xi32>
    %broadcast_in_dim3A_619 = vector.broadcast %jit3A_617 : i32 to vector<128x128xi32>
    %select_n3A_620 = arith.select %gt3A_615, %broadcast_in_dim3A_618, %broadcast_in_dim3A_619 : vector<128x128xi1>, vector<128x128xi32>
    %or3A_621 = arith.ori %or3A_611, %select_n3A_620 : vector<128x128xi32>
    %swap3A_622 = arith.constant 2 : index
    %swap3A_623 = arith.constant 128 : index
    %swap3A_624 = arith.constant 0 : index
    %swap3A_625 = vector.load %arg8[%swap3A_622, %swap3A_623, %swap3A_624] : memref<4x512x128xi32, #tpu.memory_space<vmem>>, vector<1x128x128xi32>
    %swap3A_626 = vector.shape_cast %swap3A_625 : vector<1x128x128xi32> to vector<128x128xi32>
    %swap3A_627 = vector.shape_cast %or3A_621 : vector<128x128xi32> to vector<1x128x128xi32>
    tpu.vector_store %arg8[%swap3A_622, %swap3A_623, %swap3A_624], %swap3A_627 {strides = array<i32>} : memref<4x512x128xi32, #tpu.memory_space<vmem>>, vector<1x128x128xi32>,
    %get3A_628 = arith.constant 256 : index
    %get3A_629 = arith.constant 0 : index
    %get3A_630 = vector.load %arg7[%get3A_628, %get3A_629] : memref<512x64xbf16, #tpu.memory_space<vmem>>, vector<128x64xbf16>
    %slice3A_631 = vector.extract_strided_slice %convert_element_type3A_38 {offsets = [304, 0], sizes = [64, 512], strides = [1, 1]} : vector<512x512xbf16> to vector<64x512xbf16>
    %dot_general3A_632 = arith.constant dense<0.000000e+00> : vector<128x512xf32>
    %dot_general3A_633 = tpu.matmul %get3A_630, %slice3A_631, %dot_general3A_632 {dimension_numbers = #tpu.dot_dimension_numbers<[1], [0], [0], [1], [0, 0, 1, 1], [], []>, transpose_lhs_hint = false} : vector<128x64xbf16>, vector<64x512xbf16>, vector<128x512xf32> -> vector<128x512xf32>
    %slice3A_634 = vector.extract_strided_slice %convert_element_type3A_41 {offsets = [304, 0], sizes = [64, 512], strides = [1, 1]} : vector<512x512xbf16> to vector<64x512xbf16>
    %dot_general3A_635 = arith.constant dense<0.000000e+00> : vector<128x512xf32>
    %dot_general3A_636 = tpu.matmul %get3A_630, %slice3A_634, %dot_general3A_635 {dimension_numbers = #tpu.dot_dimension_numbers<[1], [0], [0], [1], [0, 0, 1, 1], [], []>, transpose_lhs_hint = false} : vector<128x64xbf16>, vector<64x512xbf16>, vector<128x512xf32> -> vector<128x512xf32>
    %add3A_637 = arith.addf %dot_general3A_633, %dot_general3A_636 : vector<128x512xf32>
    %slice3A_638 = vector.extract_strided_slice %convert_element_type3A_44 {offsets = [304, 0], sizes = [64, 512], strides = [1, 1]} : vector<512x512xbf16> to vector<64x512xbf16>
    %dot_general3A_639 = arith.constant dense<0.000000e+00> : vector<128x512xf32>
    %dot_general3A_640 = tpu.matmul %get3A_630, %slice3A_638, %dot_general3A_639 {dimension_numbers = #tpu.dot_dimension_numbers<[1], [0], [0], [1], [0, 0, 1, 1], [], []>, transpose_lhs_hint = false} : vector<128x64xbf16>, vector<64x512xbf16>, vector<128x512xf32> -> vector<128x512xf32>
    %add3A_641 = arith.addf %add3A_637, %dot_general3A_640 : vector<128x512xf32>
    %slice3A_642 = vector.extract_strided_slice %add3A_641 {offsets = [0, 0], sizes = [128, 128], strides = [1, 1]} : vector<128x512xf32> to vector<128x128xf32>
    %gt3A_643 = arith.constant 5.000000e-01 : f32
    %gt3A_644 = vector.broadcast %gt3A_643 : f32 to vector<128x128xf32>
    %gt3A_645 = arith.cmpf ogt, %slice3A_642, %gt3A_644 : vector<128x128xf32>
    %jit3A_646 = arith.constant 1 : i32
    %jit3A_647 = arith.constant 0 : i32
    %broadcast_in_dim3A_648 = vector.broadcast %jit3A_646 : i32 to vector<128x128xi32>
    %broadcast_in_dim3A_649 = vector.broadcast %jit3A_647 : i32 to vector<128x128xi32>
    %select_n3A_650 = arith.select %gt3A_645, %broadcast_in_dim3A_648, %broadcast_in_dim3A_649 : vector<128x128xi1>, vector<128x128xi32>
    %slice3A_651 = vector.extract_strided_slice %add3A_641 {offsets = [0, 128], sizes = [128, 128], strides = [1, 1]} : vector<128x512xf32> to vector<128x128xf32>
    %gt3A_652 = arith.constant 5.000000e-01 : f32
    %gt3A_653 = vector.broadcast %gt3A_652 : f32 to vector<128x128xf32>
    %gt3A_654 = arith.cmpf ogt, %slice3A_651, %gt3A_653 : vector<128x128xf32>
    %jit3A_655 = arith.constant 256 : i32
    %jit3A_656 = arith.constant 0 : i32
    %broadcast_in_dim3A_657 = vector.broadcast %jit3A_655 : i32 to vector<128x128xi32>
    %broadcast_in_dim3A_658 = vector.broadcast %jit3A_656 : i32 to vector<128x128xi32>
    %select_n3A_659 = arith.select %gt3A_654, %broadcast_in_dim3A_657, %broadcast_in_dim3A_658 : vector<128x128xi1>, vector<128x128xi32>
    %or3A_660 = arith.ori %select_n3A_650, %select_n3A_659 : vector<128x128xi32>
    %slice3A_661 = vector.extract_strided_slice %add3A_641 {offsets = [0, 256], sizes = [128, 128], strides = [1, 1]} : vector<128x512xf32> to vector<128x128xf32>
    %gt3A_662 = arith.constant 5.000000e-01 : f32
    %gt3A_663 = vector.broadcast %gt3A_662 : f32 to vector<128x128xf32>
    %gt3A_664 = arith.cmpf ogt, %slice3A_661, %gt3A_663 : vector<128x128xf32>
    %jit3A_665 = arith.constant 65536 : i32
    %jit3A_666 = arith.constant 0 : i32
    %broadcast_in_dim3A_667 = vector.broadcast %jit3A_665 : i32 to vector<128x128xi32>
    %broadcast_in_dim3A_668 = vector.broadcast %jit3A_666 : i32 to vector<128x128xi32>
    %select_n3A_669 = arith.select %gt3A_664, %broadcast_in_dim3A_667, %broadcast_in_dim3A_668 : vector<128x128xi1>, vector<128x128xi32>
    %or3A_670 = arith.ori %or3A_660, %select_n3A_669 : vector<128x128xi32>
    %slice3A_671 = vector.extract_strided_slice %add3A_641 {offsets = [0, 384], sizes = [128, 128], strides = [1, 1]} : vector<128x512xf32> to vector<128x128xf32>
    %gt3A_672 = arith.constant 5.000000e-01 : f32
    %gt3A_673 = vector.broadcast %gt3A_672 : f32 to vector<128x128xf32>
    %gt3A_674 = arith.cmpf ogt, %slice3A_671, %gt3A_673 : vector<128x128xf32>
    %jit3A_675 = arith.constant 16777216 : i32
    %jit3A_676 = arith.constant 0 : i32
    %broadcast_in_dim3A_677 = vector.broadcast %jit3A_675 : i32 to vector<128x128xi32>
    %broadcast_in_dim3A_678 = vector.broadcast %jit3A_676 : i32 to vector<128x128xi32>
    %select_n3A_679 = arith.select %gt3A_674, %broadcast_in_dim3A_677, %broadcast_in_dim3A_678 : vector<128x128xi1>, vector<128x128xi32>
    %or3A_680 = arith.ori %or3A_670, %select_n3A_679 : vector<128x128xi32>
    %swap3A_681 = arith.constant 2 : index
    %swap3A_682 = arith.constant 256 : index
    %swap3A_683 = arith.constant 0 : index
    %swap3A_684 = vector.load %arg8[%swap3A_681, %swap3A_682, %swap3A_683] : memref<4x512x128xi32, #tpu.memory_space<vmem>>, vector<1x128x128xi32>
    %swap3A_685 = vector.shape_cast %swap3A_684 : vector<1x128x128xi32> to vector<128x128xi32>
    %swap3A_686 = vector.shape_cast %or3A_680 : vector<128x128xi32> to vector<1x128x128xi32>
    tpu.vector_store %arg8[%swap3A_681, %swap3A_682, %swap3A_683], %swap3A_686 {strides = array<i32>} : memref<4x512x128xi32, #tpu.memory_space<vmem>>, vector<1x128x128xi32>,
    %get3A_687 = arith.constant 384 : index
    %get3A_688 = arith.constant 0 : index
    %get3A_689 = vector.load %arg7[%get3A_687, %get3A_688] : memref<512x64xbf16, #tpu.memory_space<vmem>>, vector<128x64xbf16>
    %slice3A_690 = vector.extract_strided_slice %convert_element_type3A_38 {offsets = [320, 0], sizes = [64, 512], strides = [1, 1]} : vector<512x512xbf16> to vector<64x512xbf16>
    %dot_general3A_691 = arith.constant dense<0.000000e+00> : vector<128x512xf32>
    %dot_general3A_692 = tpu.matmul %get3A_689, %slice3A_690, %dot_general3A_691 {dimension_numbers = #tpu.dot_dimension_numbers<[1], [0], [0], [1], [0, 0, 1, 1], [], []>, transpose_lhs_hint = false} : vector<128x64xbf16>, vector<64x512xbf16>, vector<128x512xf32> -> vector<128x512xf32>
    %slice3A_693 = vector.extract_strided_slice %convert_element_type3A_41 {offsets = [320, 0], sizes = [64, 512], strides = [1, 1]} : vector<512x512xbf16> to vector<64x512xbf16>
    %dot_general3A_694 = arith.constant dense<0.000000e+00> : vector<128x512xf32>
    %dot_general3A_695 = tpu.matmul %get3A_689, %slice3A_693, %dot_general3A_694 {dimension_numbers = #tpu.dot_dimension_numbers<[1], [0], [0], [1], [0, 0, 1, 1], [], []>, transpose_lhs_hint = false} : vector<128x64xbf16>, vector<64x512xbf16>, vector<128x512xf32> -> vector<128x512xf32>
    %add3A_696 = arith.addf %dot_general3A_692, %dot_general3A_695 : vector<128x512xf32>
    %slice3A_697 = vector.extract_strided_slice %convert_element_type3A_44 {offsets = [320, 0], sizes = [64, 512], strides = [1, 1]} : vector<512x512xbf16> to vector<64x512xbf16>
    %dot_general3A_698 = arith.constant dense<0.000000e+00> : vector<128x512xf32>
    %dot_general3A_699 = tpu.matmul %get3A_689, %slice3A_697, %dot_general3A_698 {dimension_numbers = #tpu.dot_dimension_numbers<[1], [0], [0], [1], [0, 0, 1, 1], [], []>, transpose_lhs_hint = false} : vector<128x64xbf16>, vector<64x512xbf16>, vector<128x512xf32> -> vector<128x512xf32>
    %add3A_700 = arith.addf %add3A_696, %dot_general3A_699 : vector<128x512xf32>
    %slice3A_701 = vector.extract_strided_slice %add3A_700 {offsets = [0, 0], sizes = [128, 128], strides = [1, 1]} : vector<128x512xf32> to vector<128x128xf32>
    %gt3A_702 = arith.constant 5.000000e-01 : f32
    %gt3A_703 = vector.broadcast %gt3A_702 : f32 to vector<128x128xf32>
    %gt3A_704 = arith.cmpf ogt, %slice3A_701, %gt3A_703 : vector<128x128xf32>
    %jit3A_705 = arith.constant 1 : i32
    %jit3A_706 = arith.constant 0 : i32
    %broadcast_in_dim3A_707 = vector.broadcast %jit3A_705 : i32 to vector<128x128xi32>
    %broadcast_in_dim3A_708 = vector.broadcast %jit3A_706 : i32 to vector<128x128xi32>
    %select_n3A_709 = arith.select %gt3A_704, %broadcast_in_dim3A_707, %broadcast_in_dim3A_708 : vector<128x128xi1>, vector<128x128xi32>
    %slice3A_710 = vector.extract_strided_slice %add3A_700 {offsets = [0, 128], sizes = [128, 128], strides = [1, 1]} : vector<128x512xf32> to vector<128x128xf32>
    %gt3A_711 = arith.constant 5.000000e-01 : f32
    %gt3A_712 = vector.broadcast %gt3A_711 : f32 to vector<128x128xf32>
    %gt3A_713 = arith.cmpf ogt, %slice3A_710, %gt3A_712 : vector<128x128xf32>
    %jit3A_714 = arith.constant 256 : i32
    %jit3A_715 = arith.constant 0 : i32
    %broadcast_in_dim3A_716 = vector.broadcast %jit3A_714 : i32 to vector<128x128xi32>
    %broadcast_in_dim3A_717 = vector.broadcast %jit3A_715 : i32 to vector<128x128xi32>
    %select_n3A_718 = arith.select %gt3A_713, %broadcast_in_dim3A_716, %broadcast_in_dim3A_717 : vector<128x128xi1>, vector<128x128xi32>
    %or3A_719 = arith.ori %select_n3A_709, %select_n3A_718 : vector<128x128xi32>
    %slice3A_720 = vector.extract_strided_slice %add3A_700 {offsets = [0, 256], sizes = [128, 128], strides = [1, 1]} : vector<128x512xf32> to vector<128x128xf32>
    %gt3A_721 = arith.constant 5.000000e-01 : f32
    %gt3A_722 = vector.broadcast %gt3A_721 : f32 to vector<128x128xf32>
    %gt3A_723 = arith.cmpf ogt, %slice3A_720, %gt3A_722 : vector<128x128xf32>
    %jit3A_724 = arith.constant 65536 : i32
    %jit3A_725 = arith.constant 0 : i32
    %broadcast_in_dim3A_726 = vector.broadcast %jit3A_724 : i32 to vector<128x128xi32>
    %broadcast_in_dim3A_727 = vector.broadcast %jit3A_725 : i32 to vector<128x128xi32>
    %select_n3A_728 = arith.select %gt3A_723, %broadcast_in_dim3A_726, %broadcast_in_dim3A_727 : vector<128x128xi1>, vector<128x128xi32>
    %or3A_729 = arith.ori %or3A_719, %select_n3A_728 : vector<128x128xi32>
    %slice3A_730 = vector.extract_strided_slice %add3A_700 {offsets = [0, 384], sizes = [128, 128], strides = [1, 1]} : vector<128x512xf32> to vector<128x128xf32>
    %gt3A_731 = arith.constant 5.000000e-01 : f32
    %gt3A_732 = vector.broadcast %gt3A_731 : f32 to vector<128x128xf32>
    %gt3A_733 = arith.cmpf ogt, %slice3A_730, %gt3A_732 : vector<128x128xf32>
    %jit3A_734 = arith.constant 16777216 : i32
    %jit3A_735 = arith.constant 0 : i32
    %broadcast_in_dim3A_736 = vector.broadcast %jit3A_734 : i32 to vector<128x128xi32>
    %broadcast_in_dim3A_737 = vector.broadcast %jit3A_735 : i32 to vector<128x128xi32>
    %select_n3A_738 = arith.select %gt3A_733, %broadcast_in_dim3A_736, %broadcast_in_dim3A_737 : vector<128x128xi1>, vector<128x128xi32>
    %or3A_739 = arith.ori %or3A_729, %select_n3A_738 : vector<128x128xi32>
    %swap3A_740 = arith.constant 2 : index
    %swap3A_741 = arith.constant 384 : index
    %swap3A_742 = arith.constant 0 : index
    %swap3A_743 = vector.load %arg8[%swap3A_740, %swap3A_741, %swap3A_742] : memref<4x512x128xi32, #tpu.memory_space<vmem>>, vector<1x128x128xi32>
    %swap3A_744 = vector.shape_cast %swap3A_743 : vector<1x128x128xi32> to vector<128x128xi32>
    %swap3A_745 = vector.shape_cast %or3A_739 : vector<128x128xi32> to vector<1x128x128xi32>
    tpu.vector_store %arg8[%swap3A_740, %swap3A_741, %swap3A_742], %swap3A_745 {strides = array<i32>} : memref<4x512x128xi32, #tpu.memory_space<vmem>>, vector<1x128x128xi32>,
    %get3A_746 = arith.constant 0 : index
    %get3A_747 = arith.constant 0 : index
    %get3A_748 = vector.load %arg7[%get3A_746, %get3A_747] : memref<512x64xbf16, #tpu.memory_space<vmem>>, vector<128x64xbf16>
    %slice3A_749 = vector.extract_strided_slice %convert_element_type3A_38 {offsets = [384, 0], sizes = [64, 512], strides = [1, 1]} : vector<512x512xbf16> to vector<64x512xbf16>
    %dot_general3A_750 = arith.constant dense<0.000000e+00> : vector<128x512xf32>
    %dot_general3A_751 = tpu.matmul %get3A_748, %slice3A_749, %dot_general3A_750 {dimension_numbers = #tpu.dot_dimension_numbers<[1], [0], [0], [1], [0, 0, 1, 1], [], []>, transpose_lhs_hint = false} : vector<128x64xbf16>, vector<64x512xbf16>, vector<128x512xf32> -> vector<128x512xf32>
    %slice3A_752 = vector.extract_strided_slice %convert_element_type3A_41 {offsets = [384, 0], sizes = [64, 512], strides = [1, 1]} : vector<512x512xbf16> to vector<64x512xbf16>
    %dot_general3A_753 = arith.constant dense<0.000000e+00> : vector<128x512xf32>
    %dot_general3A_754 = tpu.matmul %get3A_748, %slice3A_752, %dot_general3A_753 {dimension_numbers = #tpu.dot_dimension_numbers<[1], [0], [0], [1], [0, 0, 1, 1], [], []>, transpose_lhs_hint = false} : vector<128x64xbf16>, vector<64x512xbf16>, vector<128x512xf32> -> vector<128x512xf32>
    %add3A_755 = arith.addf %dot_general3A_751, %dot_general3A_754 : vector<128x512xf32>
    %slice3A_756 = vector.extract_strided_slice %convert_element_type3A_44 {offsets = [384, 0], sizes = [64, 512], strides = [1, 1]} : vector<512x512xbf16> to vector<64x512xbf16>
    %dot_general3A_757 = arith.constant dense<0.000000e+00> : vector<128x512xf32>
    %dot_general3A_758 = tpu.matmul %get3A_748, %slice3A_756, %dot_general3A_757 {dimension_numbers = #tpu.dot_dimension_numbers<[1], [0], [0], [1], [0, 0, 1, 1], [], []>, transpose_lhs_hint = false} : vector<128x64xbf16>, vector<64x512xbf16>, vector<128x512xf32> -> vector<128x512xf32>
    %add3A_759 = arith.addf %add3A_755, %dot_general3A_758 : vector<128x512xf32>
    %slice3A_760 = vector.extract_strided_slice %add3A_759 {offsets = [0, 0], sizes = [128, 128], strides = [1, 1]} : vector<128x512xf32> to vector<128x128xf32>
    %gt3A_761 = arith.constant 5.000000e-01 : f32
    %gt3A_762 = vector.broadcast %gt3A_761 : f32 to vector<128x128xf32>
    %gt3A_763 = arith.cmpf ogt, %slice3A_760, %gt3A_762 : vector<128x128xf32>
    %jit3A_764 = arith.constant 1 : i32
    %jit3A_765 = arith.constant 0 : i32
    %broadcast_in_dim3A_766 = vector.broadcast %jit3A_764 : i32 to vector<128x128xi32>
    %broadcast_in_dim3A_767 = vector.broadcast %jit3A_765 : i32 to vector<128x128xi32>
    %select_n3A_768 = arith.select %gt3A_763, %broadcast_in_dim3A_766, %broadcast_in_dim3A_767 : vector<128x128xi1>, vector<128x128xi32>
    %slice3A_769 = vector.extract_strided_slice %add3A_759 {offsets = [0, 128], sizes = [128, 128], strides = [1, 1]} : vector<128x512xf32> to vector<128x128xf32>
    %gt3A_770 = arith.constant 5.000000e-01 : f32
    %gt3A_771 = vector.broadcast %gt3A_770 : f32 to vector<128x128xf32>
    %gt3A_772 = arith.cmpf ogt, %slice3A_769, %gt3A_771 : vector<128x128xf32>
    %jit3A_773 = arith.constant 256 : i32
    %jit3A_774 = arith.constant 0 : i32
    %broadcast_in_dim3A_775 = vector.broadcast %jit3A_773 : i32 to vector<128x128xi32>
    %broadcast_in_dim3A_776 = vector.broadcast %jit3A_774 : i32 to vector<128x128xi32>
    %select_n3A_777 = arith.select %gt3A_772, %broadcast_in_dim3A_775, %broadcast_in_dim3A_776 : vector<128x128xi1>, vector<128x128xi32>
    %or3A_778 = arith.ori %select_n3A_768, %select_n3A_777 : vector<128x128xi32>
    %slice3A_779 = vector.extract_strided_slice %add3A_759 {offsets = [0, 256], sizes = [128, 128], strides = [1, 1]} : vector<128x512xf32> to vector<128x128xf32>
    %gt3A_780 = arith.constant 5.000000e-01 : f32
    %gt3A_781 = vector.broadcast %gt3A_780 : f32 to vector<128x128xf32>
    %gt3A_782 = arith.cmpf ogt, %slice3A_779, %gt3A_781 : vector<128x128xf32>
    %jit3A_783 = arith.constant 65536 : i32
    %jit3A_784 = arith.constant 0 : i32
    %broadcast_in_dim3A_785 = vector.broadcast %jit3A_783 : i32 to vector<128x128xi32>
    %broadcast_in_dim3A_786 = vector.broadcast %jit3A_784 : i32 to vector<128x128xi32>
    %select_n3A_787 = arith.select %gt3A_782, %broadcast_in_dim3A_785, %broadcast_in_dim3A_786 : vector<128x128xi1>, vector<128x128xi32>
    %or3A_788 = arith.ori %or3A_778, %select_n3A_787 : vector<128x128xi32>
    %slice3A_789 = vector.extract_strided_slice %add3A_759 {offsets = [0, 384], sizes = [128, 128], strides = [1, 1]} : vector<128x512xf32> to vector<128x128xf32>
    %gt3A_790 = arith.constant 5.000000e-01 : f32
    %gt3A_791 = vector.broadcast %gt3A_790 : f32 to vector<128x128xf32>
    %gt3A_792 = arith.cmpf ogt, %slice3A_789, %gt3A_791 : vector<128x128xf32>
    %jit3A_793 = arith.constant 16777216 : i32
    %jit3A_794 = arith.constant 0 : i32
    %broadcast_in_dim3A_795 = vector.broadcast %jit3A_793 : i32 to vector<128x128xi32>
    %broadcast_in_dim3A_796 = vector.broadcast %jit3A_794 : i32 to vector<128x128xi32>
    %select_n3A_797 = arith.select %gt3A_792, %broadcast_in_dim3A_795, %broadcast_in_dim3A_796 : vector<128x128xi1>, vector<128x128xi32>
    %or3A_798 = arith.ori %or3A_788, %select_n3A_797 : vector<128x128xi32>
    %swap3A_799 = arith.constant 3 : index
    %swap3A_800 = arith.constant 0 : index
    %swap3A_801 = arith.constant 0 : index
    %swap3A_802 = vector.load %arg8[%swap3A_799, %swap3A_800, %swap3A_801] : memref<4x512x128xi32, #tpu.memory_space<vmem>>, vector<1x128x128xi32>
    %swap3A_803 = vector.shape_cast %swap3A_802 : vector<1x128x128xi32> to vector<128x128xi32>
    %swap3A_804 = vector.shape_cast %or3A_798 : vector<128x128xi32> to vector<1x128x128xi32>
    tpu.vector_store %arg8[%swap3A_799, %swap3A_800, %swap3A_801], %swap3A_804 {strides = array<i32>} : memref<4x512x128xi32, #tpu.memory_space<vmem>>, vector<1x128x128xi32>,
    %get3A_805 = arith.constant 128 : index
    %get3A_806 = arith.constant 0 : index
    %get3A_807 = vector.load %arg7[%get3A_805, %get3A_806] : memref<512x64xbf16, #tpu.memory_space<vmem>>, vector<128x64xbf16>
    %slice3A_808 = vector.extract_strided_slice %convert_element_type3A_38 {offsets = [400, 0], sizes = [64, 512], strides = [1, 1]} : vector<512x512xbf16> to vector<64x512xbf16>
    %dot_general3A_809 = arith.constant dense<0.000000e+00> : vector<128x512xf32>
    %dot_general3A_810 = tpu.matmul %get3A_807, %slice3A_808, %dot_general3A_809 {dimension_numbers = #tpu.dot_dimension_numbers<[1], [0], [0], [1], [0, 0, 1, 1], [], []>, transpose_lhs_hint = false} : vector<128x64xbf16>, vector<64x512xbf16>, vector<128x512xf32> -> vector<128x512xf32>
    %slice3A_811 = vector.extract_strided_slice %convert_element_type3A_41 {offsets = [400, 0], sizes = [64, 512], strides = [1, 1]} : vector<512x512xbf16> to vector<64x512xbf16>
    %dot_general3A_812 = arith.constant dense<0.000000e+00> : vector<128x512xf32>
    %dot_general3A_813 = tpu.matmul %get3A_807, %slice3A_811, %dot_general3A_812 {dimension_numbers = #tpu.dot_dimension_numbers<[1], [0], [0], [1], [0, 0, 1, 1], [], []>, transpose_lhs_hint = false} : vector<128x64xbf16>, vector<64x512xbf16>, vector<128x512xf32> -> vector<128x512xf32>
    %add3A_814 = arith.addf %dot_general3A_810, %dot_general3A_813 : vector<128x512xf32>
    %slice3A_815 = vector.extract_strided_slice %convert_element_type3A_44 {offsets = [400, 0], sizes = [64, 512], strides = [1, 1]} : vector<512x512xbf16> to vector<64x512xbf16>
    %dot_general3A_816 = arith.constant dense<0.000000e+00> : vector<128x512xf32>
    %dot_general3A_817 = tpu.matmul %get3A_807, %slice3A_815, %dot_general3A_816 {dimension_numbers = #tpu.dot_dimension_numbers<[1], [0], [0], [1], [0, 0, 1, 1], [], []>, transpose_lhs_hint = false} : vector<128x64xbf16>, vector<64x512xbf16>, vector<128x512xf32> -> vector<128x512xf32>
    %add3A_818 = arith.addf %add3A_814, %dot_general3A_817 : vector<128x512xf32>
    %slice3A_819 = vector.extract_strided_slice %add3A_818 {offsets = [0, 0], sizes = [128, 128], strides = [1, 1]} : vector<128x512xf32> to vector<128x128xf32>
    %gt3A_820 = arith.constant 5.000000e-01 : f32
    %gt3A_821 = vector.broadcast %gt3A_820 : f32 to vector<128x128xf32>
    %gt3A_822 = arith.cmpf ogt, %slice3A_819, %gt3A_821 : vector<128x128xf32>
    %jit3A_823 = arith.constant 1 : i32
    %jit3A_824 = arith.constant 0 : i32
    %broadcast_in_dim3A_825 = vector.broadcast %jit3A_823 : i32 to vector<128x128xi32>
    %broadcast_in_dim3A_826 = vector.broadcast %jit3A_824 : i32 to vector<128x128xi32>
    %select_n3A_827 = arith.select %gt3A_822, %broadcast_in_dim3A_825, %broadcast_in_dim3A_826 : vector<128x128xi1>, vector<128x128xi32>
    %slice3A_828 = vector.extract_strided_slice %add3A_818 {offsets = [0, 128], sizes = [128, 128], strides = [1, 1]} : vector<128x512xf32> to vector<128x128xf32>
    %gt3A_829 = arith.constant 5.000000e-01 : f32
    %gt3A_830 = vector.broadcast %gt3A_829 : f32 to vector<128x128xf32>
    %gt3A_831 = arith.cmpf ogt, %slice3A_828, %gt3A_830 : vector<128x128xf32>
    %jit3A_832 = arith.constant 256 : i32
    %jit3A_833 = arith.constant 0 : i32
    %broadcast_in_dim3A_834 = vector.broadcast %jit3A_832 : i32 to vector<128x128xi32>
    %broadcast_in_dim3A_835 = vector.broadcast %jit3A_833 : i32 to vector<128x128xi32>
    %select_n3A_836 = arith.select %gt3A_831, %broadcast_in_dim3A_834, %broadcast_in_dim3A_835 : vector<128x128xi1>, vector<128x128xi32>
    %or3A_837 = arith.ori %select_n3A_827, %select_n3A_836 : vector<128x128xi32>
    %slice3A_838 = vector.extract_strided_slice %add3A_818 {offsets = [0, 256], sizes = [128, 128], strides = [1, 1]} : vector<128x512xf32> to vector<128x128xf32>
    %gt3A_839 = arith.constant 5.000000e-01 : f32
    %gt3A_840 = vector.broadcast %gt3A_839 : f32 to vector<128x128xf32>
    %gt3A_841 = arith.cmpf ogt, %slice3A_838, %gt3A_840 : vector<128x128xf32>
    %jit3A_842 = arith.constant 65536 : i32
    %jit3A_843 = arith.constant 0 : i32
    %broadcast_in_dim3A_844 = vector.broadcast %jit3A_842 : i32 to vector<128x128xi32>
    %broadcast_in_dim3A_845 = vector.broadcast %jit3A_843 : i32 to vector<128x128xi32>
    %select_n3A_846 = arith.select %gt3A_841, %broadcast_in_dim3A_844, %broadcast_in_dim3A_845 : vector<128x128xi1>, vector<128x128xi32>
    %or3A_847 = arith.ori %or3A_837, %select_n3A_846 : vector<128x128xi32>
    %slice3A_848 = vector.extract_strided_slice %add3A_818 {offsets = [0, 384], sizes = [128, 128], strides = [1, 1]} : vector<128x512xf32> to vector<128x128xf32>
    %gt3A_849 = arith.constant 5.000000e-01 : f32
    %gt3A_850 = vector.broadcast %gt3A_849 : f32 to vector<128x128xf32>
    %gt3A_851 = arith.cmpf ogt, %slice3A_848, %gt3A_850 : vector<128x128xf32>
    %jit3A_852 = arith.constant 16777216 : i32
    %jit3A_853 = arith.constant 0 : i32
    %broadcast_in_dim3A_854 = vector.broadcast %jit3A_852 : i32 to vector<128x128xi32>
    %broadcast_in_dim3A_855 = vector.broadcast %jit3A_853 : i32 to vector<128x128xi32>
    %select_n3A_856 = arith.select %gt3A_851, %broadcast_in_dim3A_854, %broadcast_in_dim3A_855 : vector<128x128xi1>, vector<128x128xi32>
    %or3A_857 = arith.ori %or3A_847, %select_n3A_856 : vector<128x128xi32>
    %swap3A_858 = arith.constant 3 : index
    %swap3A_859 = arith.constant 128 : index
    %swap3A_860 = arith.constant 0 : index
    %swap3A_861 = vector.load %arg8[%swap3A_858, %swap3A_859, %swap3A_860] : memref<4x512x128xi32, #tpu.memory_space<vmem>>, vector<1x128x128xi32>
    %swap3A_862 = vector.shape_cast %swap3A_861 : vector<1x128x128xi32> to vector<128x128xi32>
    %swap3A_863 = vector.shape_cast %or3A_857 : vector<128x128xi32> to vector<1x128x128xi32>
    tpu.vector_store %arg8[%swap3A_858, %swap3A_859, %swap3A_860], %swap3A_863 {strides = array<i32>} : memref<4x512x128xi32, #tpu.memory_space<vmem>>, vector<1x128x128xi32>,
    %get3A_864 = arith.constant 256 : index
    %get3A_865 = arith.constant 0 : index
    %get3A_866 = vector.load %arg7[%get3A_864, %get3A_865] : memref<512x64xbf16, #tpu.memory_space<vmem>>, vector<128x64xbf16>
    %slice3A_867 = vector.extract_strided_slice %convert_element_type3A_38 {offsets = [432, 0], sizes = [64, 512], strides = [1, 1]} : vector<512x512xbf16> to vector<64x512xbf16>
    %dot_general3A_868 = arith.constant dense<0.000000e+00> : vector<128x512xf32>
    %dot_general3A_869 = tpu.matmul %get3A_866, %slice3A_867, %dot_general3A_868 {dimension_numbers = #tpu.dot_dimension_numbers<[1], [0], [0], [1], [0, 0, 1, 1], [], []>, transpose_lhs_hint = false} : vector<128x64xbf16>, vector<64x512xbf16>, vector<128x512xf32> -> vector<128x512xf32>
    %slice3A_870 = vector.extract_strided_slice %convert_element_type3A_41 {offsets = [432, 0], sizes = [64, 512], strides = [1, 1]} : vector<512x512xbf16> to vector<64x512xbf16>
    %dot_general3A_871 = arith.constant dense<0.000000e+00> : vector<128x512xf32>
    %dot_general3A_872 = tpu.matmul %get3A_866, %slice3A_870, %dot_general3A_871 {dimension_numbers = #tpu.dot_dimension_numbers<[1], [0], [0], [1], [0, 0, 1, 1], [], []>, transpose_lhs_hint = false} : vector<128x64xbf16>, vector<64x512xbf16>, vector<128x512xf32> -> vector<128x512xf32>
    %add3A_873 = arith.addf %dot_general3A_869, %dot_general3A_872 : vector<128x512xf32>
    %slice3A_874 = vector.extract_strided_slice %convert_element_type3A_44 {offsets = [432, 0], sizes = [64, 512], strides = [1, 1]} : vector<512x512xbf16> to vector<64x512xbf16>
    %dot_general3A_875 = arith.constant dense<0.000000e+00> : vector<128x512xf32>
    %dot_general3A_876 = tpu.matmul %get3A_866, %slice3A_874, %dot_general3A_875 {dimension_numbers = #tpu.dot_dimension_numbers<[1], [0], [0], [1], [0, 0, 1, 1], [], []>, transpose_lhs_hint = false} : vector<128x64xbf16>, vector<64x512xbf16>, vector<128x512xf32> -> vector<128x512xf32>
    %add3A_877 = arith.addf %add3A_873, %dot_general3A_876 : vector<128x512xf32>
    %slice3A_878 = vector.extract_strided_slice %add3A_877 {offsets = [0, 0], sizes = [128, 128], strides = [1, 1]} : vector<128x512xf32> to vector<128x128xf32>
    %gt3A_879 = arith.constant 5.000000e-01 : f32
    %gt3A_880 = vector.broadcast %gt3A_879 : f32 to vector<128x128xf32>
    %gt3A_881 = arith.cmpf ogt, %slice3A_878, %gt3A_880 : vector<128x128xf32>
    %jit3A_882 = arith.constant 1 : i32
    %jit3A_883 = arith.constant 0 : i32
    %broadcast_in_dim3A_884 = vector.broadcast %jit3A_882 : i32 to vector<128x128xi32>
    %broadcast_in_dim3A_885 = vector.broadcast %jit3A_883 : i32 to vector<128x128xi32>
    %select_n3A_886 = arith.select %gt3A_881, %broadcast_in_dim3A_884, %broadcast_in_dim3A_885 : vector<128x128xi1>, vector<128x128xi32>
    %slice3A_887 = vector.extract_strided_slice %add3A_877 {offsets = [0, 128], sizes = [128, 128], strides = [1, 1]} : vector<128x512xf32> to vector<128x128xf32>
    %gt3A_888 = arith.constant 5.000000e-01 : f32
    %gt3A_889 = vector.broadcast %gt3A_888 : f32 to vector<128x128xf32>
    %gt3A_890 = arith.cmpf ogt, %slice3A_887, %gt3A_889 : vector<128x128xf32>
    %jit3A_891 = arith.constant 256 : i32
    %jit3A_892 = arith.constant 0 : i32
    %broadcast_in_dim3A_893 = vector.broadcast %jit3A_891 : i32 to vector<128x128xi32>
    %broadcast_in_dim3A_894 = vector.broadcast %jit3A_892 : i32 to vector<128x128xi32>
    %select_n3A_895 = arith.select %gt3A_890, %broadcast_in_dim3A_893, %broadcast_in_dim3A_894 : vector<128x128xi1>, vector<128x128xi32>
    %or3A_896 = arith.ori %select_n3A_886, %select_n3A_895 : vector<128x128xi32>
    %slice3A_897 = vector.extract_strided_slice %add3A_877 {offsets = [0, 256], sizes = [128, 128], strides = [1, 1]} : vector<128x512xf32> to vector<128x128xf32>
    %gt3A_898 = arith.constant 5.000000e-01 : f32
    %gt3A_899 = vector.broadcast %gt3A_898 : f32 to vector<128x128xf32>
    %gt3A_900 = arith.cmpf ogt, %slice3A_897, %gt3A_899 : vector<128x128xf32>
    %jit3A_901 = arith.constant 65536 : i32
    %jit3A_902 = arith.constant 0 : i32
    %broadcast_in_dim3A_903 = vector.broadcast %jit3A_901 : i32 to vector<128x128xi32>
    %broadcast_in_dim3A_904 = vector.broadcast %jit3A_902 : i32 to vector<128x128xi32>
    %select_n3A_905 = arith.select %gt3A_900, %broadcast_in_dim3A_903, %broadcast_in_dim3A_904 : vector<128x128xi1>, vector<128x128xi32>
    %or3A_906 = arith.ori %or3A_896, %select_n3A_905 : vector<128x128xi32>
    %slice3A_907 = vector.extract_strided_slice %add3A_877 {offsets = [0, 384], sizes = [128, 128], strides = [1, 1]} : vector<128x512xf32> to vector<128x128xf32>
    %gt3A_908 = arith.constant 5.000000e-01 : f32
    %gt3A_909 = vector.broadcast %gt3A_908 : f32 to vector<128x128xf32>
    %gt3A_910 = arith.cmpf ogt, %slice3A_907, %gt3A_909 : vector<128x128xf32>
    %jit3A_911 = arith.constant 16777216 : i32
    %jit3A_912 = arith.constant 0 : i32
    %broadcast_in_dim3A_913 = vector.broadcast %jit3A_911 : i32 to vector<128x128xi32>
    %broadcast_in_dim3A_914 = vector.broadcast %jit3A_912 : i32 to vector<128x128xi32>
    %select_n3A_915 = arith.select %gt3A_910, %broadcast_in_dim3A_913, %broadcast_in_dim3A_914 : vector<128x128xi1>, vector<128x128xi32>
    %or3A_916 = arith.ori %or3A_906, %select_n3A_915 : vector<128x128xi32>
    %swap3A_917 = arith.constant 3 : index
    %swap3A_918 = arith.constant 256 : index
    %swap3A_919 = arith.constant 0 : index
    %swap3A_920 = vector.load %arg8[%swap3A_917, %swap3A_918, %swap3A_919] : memref<4x512x128xi32, #tpu.memory_space<vmem>>, vector<1x128x128xi32>
    %swap3A_921 = vector.shape_cast %swap3A_920 : vector<1x128x128xi32> to vector<128x128xi32>
    %swap3A_922 = vector.shape_cast %or3A_916 : vector<128x128xi32> to vector<1x128x128xi32>
    tpu.vector_store %arg8[%swap3A_917, %swap3A_918, %swap3A_919], %swap3A_922 {strides = array<i32>} : memref<4x512x128xi32, #tpu.memory_space<vmem>>, vector<1x128x128xi32>,
    %get3A_923 = arith.constant 384 : index
    %get3A_924 = arith.constant 0 : index
    %get3A_925 = vector.load %arg7[%get3A_923, %get3A_924] : memref<512x64xbf16, #tpu.memory_space<vmem>>, vector<128x64xbf16>
    %slice3A_926 = vector.extract_strided_slice %convert_element_type3A_38 {offsets = [448, 0], sizes = [64, 512], strides = [1, 1]} : vector<512x512xbf16> to vector<64x512xbf16>
    %dot_general3A_927 = arith.constant dense<0.000000e+00> : vector<128x512xf32>
    %dot_general3A_928 = tpu.matmul %get3A_925, %slice3A_926, %dot_general3A_927 {dimension_numbers = #tpu.dot_dimension_numbers<[1], [0], [0], [1], [0, 0, 1, 1], [], []>, transpose_lhs_hint = false} : vector<128x64xbf16>, vector<64x512xbf16>, vector<128x512xf32> -> vector<128x512xf32>
    %slice3A_929 = vector.extract_strided_slice %convert_element_type3A_41 {offsets = [448, 0], sizes = [64, 512], strides = [1, 1]} : vector<512x512xbf16> to vector<64x512xbf16>
    %dot_general3A_930 = arith.constant dense<0.000000e+00> : vector<128x512xf32>
    %dot_general3A_931 = tpu.matmul %get3A_925, %slice3A_929, %dot_general3A_930 {dimension_numbers = #tpu.dot_dimension_numbers<[1], [0], [0], [1], [0, 0, 1, 1], [], []>, transpose_lhs_hint = false} : vector<128x64xbf16>, vector<64x512xbf16>, vector<128x512xf32> -> vector<128x512xf32>
    %add3A_932 = arith.addf %dot_general3A_928, %dot_general3A_931 : vector<128x512xf32>
    %slice3A_933 = vector.extract_strided_slice %convert_element_type3A_44 {offsets = [448, 0], sizes = [64, 512], strides = [1, 1]} : vector<512x512xbf16> to vector<64x512xbf16>
    %dot_general3A_934 = arith.constant dense<0.000000e+00> : vector<128x512xf32>
    %dot_general3A_935 = tpu.matmul %get3A_925, %slice3A_933, %dot_general3A_934 {dimension_numbers = #tpu.dot_dimension_numbers<[1], [0], [0], [1], [0, 0, 1, 1], [], []>, transpose_lhs_hint = false} : vector<128x64xbf16>, vector<64x512xbf16>, vector<128x512xf32> -> vector<128x512xf32>
    %add3A_936 = arith.addf %add3A_932, %dot_general3A_935 : vector<128x512xf32>
    %slice3A_937 = vector.extract_strided_slice %add3A_936 {offsets = [0, 0], sizes = [128, 128], strides = [1, 1]} : vector<128x512xf32> to vector<128x128xf32>
    %gt3A_938 = arith.constant 5.000000e-01 : f32
    %gt3A_939 = vector.broadcast %gt3A_938 : f32 to vector<128x128xf32>
    %gt3A_940 = arith.cmpf ogt, %slice3A_937, %gt3A_939 : vector<128x128xf32>
    %jit3A_941 = arith.constant 1 : i32
    %jit3A_942 = arith.constant 0 : i32
    %broadcast_in_dim3A_943 = vector.broadcast %jit3A_941 : i32 to vector<128x128xi32>
    %broadcast_in_dim3A_944 = vector.broadcast %jit3A_942 : i32 to vector<128x128xi32>
    %select_n3A_945 = arith.select %gt3A_940, %broadcast_in_dim3A_943, %broadcast_in_dim3A_944 : vector<128x128xi1>, vector<128x128xi32>
    %slice3A_946 = vector.extract_strided_slice %add3A_936 {offsets = [0, 128], sizes = [128, 128], strides = [1, 1]} : vector<128x512xf32> to vector<128x128xf32>
    %gt3A_947 = arith.constant 5.000000e-01 : f32
    %gt3A_948 = vector.broadcast %gt3A_947 : f32 to vector<128x128xf32>
    %gt3A_949 = arith.cmpf ogt, %slice3A_946, %gt3A_948 : vector<128x128xf32>
    %jit3A_950 = arith.constant 256 : i32
    %jit3A_951 = arith.constant 0 : i32
    %broadcast_in_dim3A_952 = vector.broadcast %jit3A_950 : i32 to vector<128x128xi32>
    %broadcast_in_dim3A_953 = vector.broadcast %jit3A_951 : i32 to vector<128x128xi32>
    %select_n3A_954 = arith.select %gt3A_949, %broadcast_in_dim3A_952, %broadcast_in_dim3A_953 : vector<128x128xi1>, vector<128x128xi32>
    %or3A_955 = arith.ori %select_n3A_945, %select_n3A_954 : vector<128x128xi32>
    %slice3A_956 = vector.extract_strided_slice %add3A_936 {offsets = [0, 256], sizes = [128, 128], strides = [1, 1]} : vector<128x512xf32> to vector<128x128xf32>
    %gt3A_957 = arith.constant 5.000000e-01 : f32
    %gt3A_958 = vector.broadcast %gt3A_957 : f32 to vector<128x128xf32>
    %gt3A_959 = arith.cmpf ogt, %slice3A_956, %gt3A_958 : vector<128x128xf32>
    %jit3A_960 = arith.constant 65536 : i32
    %jit3A_961 = arith.constant 0 : i32
    %broadcast_in_dim3A_962 = vector.broadcast %jit3A_960 : i32 to vector<128x128xi32>
    %broadcast_in_dim3A_963 = vector.broadcast %jit3A_961 : i32 to vector<128x128xi32>
    %select_n3A_964 = arith.select %gt3A_959, %broadcast_in_dim3A_962, %broadcast_in_dim3A_963 : vector<128x128xi1>, vector<128x128xi32>
    %or3A_965 = arith.ori %or3A_955, %select_n3A_964 : vector<128x128xi32>
    %slice3A_966 = vector.extract_strided_slice %add3A_936 {offsets = [0, 384], sizes = [128, 128], strides = [1, 1]} : vector<128x512xf32> to vector<128x128xf32>
    %gt3A_967 = arith.constant 5.000000e-01 : f32
    %gt3A_968 = vector.broadcast %gt3A_967 : f32 to vector<128x128xf32>
    %gt3A_969 = arith.cmpf ogt, %slice3A_966, %gt3A_968 : vector<128x128xf32>
    %jit3A_970 = arith.constant 16777216 : i32
    %jit3A_971 = arith.constant 0 : i32
    %broadcast_in_dim3A_972 = vector.broadcast %jit3A_970 : i32 to vector<128x128xi32>
    %broadcast_in_dim3A_973 = vector.broadcast %jit3A_971 : i32 to vector<128x128xi32>
    %select_n3A_974 = arith.select %gt3A_969, %broadcast_in_dim3A_972, %broadcast_in_dim3A_973 : vector<128x128xi1>, vector<128x128xi32>
    %or3A_975 = arith.ori %or3A_965, %select_n3A_974 : vector<128x128xi32>
    %swap3A_976 = arith.constant 3 : index
    %swap3A_977 = arith.constant 384 : index
    %swap3A_978 = arith.constant 0 : index
    %swap3A_979 = vector.load %arg8[%swap3A_976, %swap3A_977, %swap3A_978] : memref<4x512x128xi32, #tpu.memory_space<vmem>>, vector<1x128x128xi32>
    %swap3A_980 = vector.shape_cast %swap3A_979 : vector<1x128x128xi32> to vector<128x128xi32>
    %swap3A_981 = vector.shape_cast %or3A_975 : vector<128x128xi32> to vector<1x128x128xi32>
    tpu.vector_store %arg8[%swap3A_976, %swap3A_977, %swap3A_978], %swap3A_981 {strides = array<i32>} : memref<4x512x128xi32, #tpu.memory_space<vmem>>, vector<1x128x128xi32>,
    return
  }
  func.func @transform_0(%arg0: i32, %arg1: memref<400xi32, #tpu.memory_space<smem>>) -> (i32, i32, i32) {
    %mul3A = arith.constant 4 : i32
    %mul3A_0 = arith.muli %mul3A, %arg0 : i32
    %add3A = arith.constant 0 : i32
    %add3A_1 = arith.addi %mul3A_0, %add3A : i32
    %get3A = arith.index_cast %add3A_1 : i32 to index
    %get3A_2 = memref.load %arg1[%get3A] : memref<400xi32, #tpu.memory_space<smem>>
    %c0_i32 = arith.constant 0 : i32
    %c0_i32_3 = arith.constant 0 : i32
    %c0_i32_4 = arith.constant 0 : i32
    return %get3A_2, %c0_i32, %c0_i32_3 : i32, i32, i32
  }
  func.func @transform_1(%arg0: i32, %arg1: memref<400xi32, #tpu.memory_space<smem>>) -> (i32, i32, i32) {
    %mul3A = arith.constant 4 : i32
    %mul3A_0 = arith.muli %mul3A, %arg0 : i32
    %add3A = arith.constant 1 : i32
    %add3A_1 = arith.addi %mul3A_0, %add3A : i32
    %get3A = arith.index_cast %add3A_1 : i32 to index
    %get3A_2 = memref.load %arg1[%get3A] : memref<400xi32, #tpu.memory_space<smem>>
    %c0_i32 = arith.constant 0 : i32
    %c0_i32_3 = arith.constant 0 : i32
    %c0_i32_4 = arith.constant 0 : i32
    return %get3A_2, %c0_i32, %c0_i32_3 : i32, i32, i32
  }
  func.func @transform_2(%arg0: i32, %arg1: memref<400xi32, #tpu.memory_space<smem>>) -> (i32, i32, i32) {
    %mul3A = arith.constant 4 : i32
    %mul3A_0 = arith.muli %mul3A, %arg0 : i32
    %add3A = arith.constant 2 : i32
    %add3A_1 = arith.addi %mul3A_0, %add3A : i32
    %get3A = arith.index_cast %add3A_1 : i32 to index
    %get3A_2 = memref.load %arg1[%get3A] : memref<400xi32, #tpu.memory_space<smem>>
    %c0_i32 = arith.constant 0 : i32
    %c0_i32_3 = arith.constant 0 : i32
    %c0_i32_4 = arith.constant 0 : i32
    return %get3A_2, %c0_i32, %c0_i32_3 : i32, i32, i32
  }
  func.func @transform_3(%arg0: i32, %arg1: memref<400xi32, #tpu.memory_space<smem>>) -> (i32, i32, i32) {
    %mul3A = arith.constant 4 : i32
    %mul3A_0 = arith.muli %mul3A, %arg0 : i32
    %add3A = arith.constant 3 : i32
    %add3A_1 = arith.addi %mul3A_0, %add3A : i32
    %get3A = arith.index_cast %add3A_1 : i32 to index
    %get3A_2 = memref.load %arg1[%get3A] : memref<400xi32, #tpu.memory_space<smem>>
    %c0_i32 = arith.constant 0 : i32
    %c0_i32_3 = arith.constant 0 : i32
    %c0_i32_4 = arith.constant 0 : i32
    return %get3A_2, %c0_i32, %c0_i32_3 : i32, i32, i32
  }
  func.func @transform_4(%arg0: i32, %arg1: memref<400xi32, #tpu.memory_space<smem>>) -> (i32, i32) {
    %c0_i32 = arith.constant 0 : i32
    %c0_i32_0 = arith.constant 0 : i32
    %c0_i32_1 = arith.constant 0 : i32
    return %c0_i32, %c0_i32_0 : i32, i32
  }
  func.func @transform_5(%arg0: i32, %arg1: memref<400xi32, #tpu.memory_space<smem>>) -> (i32, i32) {
    %c0_i32 = arith.constant 0 : i32
    %c0_i32_0 = arith.constant 0 : i32
    %c0_i32_1 = arith.constant 0 : i32
    return %c0_i32, %c0_i32_0 : i32, i32
  }
  func.func @transform_6(%arg0: i32, %arg1: memref<400xi32, #tpu.memory_space<smem>>) -> (i32, i32, i32) {
    %c0_i32 = arith.constant 0 : i32
    %c0_i32_0 = arith.constant 0 : i32
    %c0_i32_1 = arith.constant 0 : i32
    return %arg0, %c0_i32, %c0_i32_0 : i32, i32, i32
  }
}

</mosaic_0001>

<sc_bundles>
// kernel: sparse-core-data-format-call.1.cloned.1.call-start
scs
called_computation.1_lowered:
.L_overlay_start_0:
0x0: {  	s2 =	sld [smem:$0x3FD9]  }
0x1: {  	s3 =	sld [smem:$0x3FFE];
	_ =	sdelay $0x1  }
0x2: {  	s1 =	srdreg.scid  }
0x3: {  	s0 =	sand.u32 $0x1, s1  }
0x4: {  	s15 =	sshll.u32 s0, $0xA;
	s2 =	sadd.s32 s3, s2  }
0x5: {  	s2 =	sadd.s32 s2, s15  }
0x6: {  	[smem:$0x3FC6] =	sst s2  }
0x7: {  	_ = 	snop  }
0x8: {  	s2 =	sld [smem:$0x3FD0];
	_ =	sdelay $0x2  }
0x9: {  	s16 =	simm.s32 $0xA;
	s4 =	simm.s32 $0x10  }
0xa: {  	[smem:s4], [sflag:s16] =	dma.local [hbm:s2], $0x1  }
0xb: {  	_ =	swait.eq [sflag:s16], $0x1  }
0xc: {  	[sflag:s16] =	ssyncset.done $0x0  }
0xd: {  	[sflag:s16] =	ssyncadd.s32 $0xFFFFFFFF  }
0xe: {  	s17 =	sld [smem:$0x11];
	(tm) =	ssettm $0x1  }
0xf: {  	s18 =	sld [smem:$0x3FFB];
	_ =	sdelay $0x3  }
0x10: {  	_ =	strace s18  }
0x11: {  	s3 =	sld [smem:$0x3FFC];
	_ =	sdelay $0x3  }
0x12: {  	_ =	strace s3  }
0x13: {  	s3 =	sld [smem:$0x3FFD];
	_ =	sdelay $0x3  }
0x14: {  	_ =	strace s3  }
0x15: {  	_ =	strace $0x8FFFFFFF  }
0x16: {  	s19 =	sld [smem:$0x3FDB];
	_ =	sdelay $0x1  }
0x17: {  	s20 =	simm.s32 $_scs_section_size  }
0x18: {  	s5 =	simm.s32 $_size__tile_overlayer_lowered;
	s6 =	simm.s32 $_tile_overlayer_lowered  }
0x19: {  	s23 =	simm.s32 $0x1BFF;
	s22 =	sshll.u32 s6, $0x1;
	s3 =	sadd.s32 s20, s19  }
0x1a: {  	s7 =	simm.s32 $0x0;
	s21 =	sshll.u32 s5, $0x1;
	s5 =	sadd.s32 s22, s3  }
0x1b: {  	[timem:s7], [sflag:s23] =	dma.local [hbm:s5], s21  }
0x1c: {  	_ =	swait.ge [sflag:s23], s21  }
0x1d: {  	s4 =	ssub.s32 $0x0, s21;
	[sflag:s23] =	ssyncset.done $0x0  }
0x1e: {  	[sflag:s23] =	ssyncadd.s32 s4;
	_ =	sdelay $0x1  }
0x1f: {  	s24 =	simm.s32 $0x1B8B  }
0x20: {  	_ =	swait.ge [sflag:s24], $0x1  }
0x21: {  	[sflag:s24] =	ssyncset.done $0x0  }
0x22: {  	s26 =	simm.s32 $0x1B8E;
	s25 =	sld [smem:$0x3FFE];
	[sflag:s24] =	ssyncadd.s32 $0xFFFFFFFF  }
0x23: {  	s27 =	simm.s32 $execute0_lowered;
	[smem:$0x3FD2] =	sst s26  }
0x24: {  	s5 =	sshll.u32 s27, $0x1;
	_ =	strace $0x80000046;
	[dreg:$0x1] =	wrdreg $0xFFFFFFFF  }
0x25: {  	s28 =	simm.s32 $_size_execute0_lowered;
	s3 =	sadd.s32 s3, s5;
	[dreg:$0x0] =	wrdreg $0x0  }
0x26: {  	s5 =	sshll.u32 s28, $0x1;
	[dreg:$0x2] =	wrdreg s3  }
0x27: {  	[dreg:$0x3] =	wrdreg s5  }
0x28: {  	[dreg:$0x4] =	wrdreg $0xC0  }
0x29: {  	_ =	task [dreg:s7], $0x5FFFF  }
0x2a: {  	[dreg:$0x1] =	wrdreg $0xFFFFFFFF  }
0x2b: {  	[dreg:$0x0] =	wrdreg $0x60  }
0x2c: {  	[dreg:$0x2] =	wrdreg s25  }
0x2d: {  	[dreg:$0x3] =	wrdreg s17  }
0x2e: {  	[dreg:$0x4] =	wrdreg $0x9  }
0x2f: {  	_ =	task.clear_ibuf [dreg:s7], $0x5FFFF;
	_ =	strace $0x90000046  }
0x30: {  	s29 =	simm.s32 $0x9;
	_ =	strace $0x80000048  }
0x31: {  	_ =	swait.ge [sflag:s29], $0x1  }
0x32: {  	[sflag:s29] =	ssyncadd.s32 $0xFFFFFFFF  }
0x33: {  	_ =	strace $0x90000048  }
0x34: {  	_ =	sfence  }
0x35: {  	s30 =	sld [smem:$0x0];
	_ =	sdelay $0x2  }
0x36: {  	s31 =	sshll.u32 s1, $0xD;
	s1 =	sshrl.u32 s1, $0x2  }
0x37: {  	s3 =	sand.u32 $0x4000, s31;
	s1 =	sadd.s32 s1, s30  }
0x38: {  	s0 =	sor.u32 s3, s0;
	s1 =	sshll.u32 s1, $0x11  }
0x39: {  	s0 =	sor.u32 s1, s0  }
0x3a: {  	s0 =	sadd.s32 $0x8F2B, s0  }
0x3b: {  	[sflag:s0] =	ssyncadd.remote.s32 $0x1  }
0x3c: {  	_ =	sfence.sel $0xFFFF  }
0x3d: {  	[dreg:$0x0] =	wrdreg $0xFFFFFFFF;
	(pc) =	sbr.abs _section_cstart, $3  }
0x3e: {  	[dreg:$0x1] =	wrdreg $0xFFFFFFFF  }
0x3f: {  	_ =	task.clear_ibuf [dreg:s7], $0x2FFFF;
	_ =	strace $0x9FFFFFFF  }
0x40: {  	(tm) =	ssettm $0x7FFFFFFF  }
0x41: {  	_ =	shalt  }
tec
execute0_lowered:
.L_overlay_start_1:
0x0: {  	(tag) =	ssettag $0x1  }
0x1: {  	s0 =	stileid.u32;
	s1 =	srdreg.scid  }
0x2: {  	s5 =	rddreg [dreg:$0x0];
	s2 =	sshll.u32 s0, $0x4;
	s1 =	sshll.u32 s1, $0x8  }
0x3: {  	s3 =	rddreg [dreg:$0x1];
	s6 =	simm.s32 $0x1;
	s1 =	sor.u32 s2, s1  }
0x4: {  	s8 =	simm.s32 $0x2;
	s14 =	simm.s32 $0x0;
	s2 =	sand.u32 $0x180, s1  }
0x5: {  	s9 =	simm.s32 $0x80;
	s10 =	simm.s32 $0x32000;
	s4 =	ssub.s32 $0x200, s2  }
0x6: {  	s13 =	simm.s32 $0x0;
	s12 =	simm.s32 $0x0;
	s31 =	sand.u32 $0x180, s4  }
0x7: {  	s1 =	rddreg [dreg:$0x2];
	s7 =	sshll.u32 s2, $0x4;
	p0 =	sne.s32 s31, $0x0  }
.Ltmp0:
0x8: {  	s4 =	sshrl.u32 s4, $0x9;
	s6 =	simm.s32 @!p0 $0x0;
	(pc) =	sbr.rel .LBB1_1-.Ltmp0, $4  }
0x9: {  	_ =	strace $0x80000047;
	s7 =	sadd.s32 s7, s5;
	s6 =	sadd.s32 s6, s4  }
0xa: {  	s7 =	sadd.s32 $0xC00, s7;
	s4 =	simm.s32 $0x1;
	s5 =	smul.u32 $0x32, s6  }
0xb: {  	p0 =	por $0x0, $0x0;
	s6 =	sand.u32 $0x7, s0;
	[sflag:s4] =	ssyncpa.u1 $0x0  }
0xc: {  	[sflag:s8] =	ssyncpa.u1 $0x0;
	s11 =	smov.u32 s6;
	s8 =	sor.u32 $0x1, s5  }
.LBB1_4:
0xd: {  	v5 =	vld [tilespmem:s18+$0xFFFFFFD0];
	[tilespmem:s17+$0x2040 ss:$0x81] =	vst.msk $0xffff, v3;
	s20 =	sshll.u32 s13, $0x9  }
0xe: {  	v58 =	vld [tilespmem:s18+$0xFFFFFFE0];
	[tilespmem:s17+$0x2850 ss:$0x81] =	vst.msk $0xffff, v4;
	s14 =	sshll.u32 s14, $0x3;
	s21 =	sshll.u32 s13, $0x7;
	s20 =	sand.u32 $0xFFFFF000, s20  }
0xf: {  	s19 =	sshra.s32 s19, $0x2;
	v59 =	vld [tilespmem:s18+$0xFFFFFFF0];
	[tilespmem:s17+$0x3060 ss:$0x81] =	vst.msk $0xffff, v2;
	s29 =	sand.u32 $0x200, s21;
	s14 =	sor.u32 s14, s20  }
0x10: {  	v60 =	vld [tilespmem:s18+$0x0];
	[tilespmem:s17+$0x0 ss:$0x81] =	vst.msk $0xffff, v0;
	s16 =	sadd.s32 s19, s16;
	s14 =	sor.u32 s29, s14  }
0x11: {  	v61 =	vld [tilespmem:s18+$0x10];
	[tilespmem:s16+$0x3870 ss:$0x81] =	vst.msk $0xffff, v1;
	s14 =	sshrl.u32 s14, $0x9  }
0x12: {  	v62 =	vld [tilespmem:s18+$0x20];
	[tilespmem:s16+$0x810 ss:$0x81] =	vst.msk $0xffff, v5;
	s30 =	smulhi.u32 $0xA3D70B, s14  }
0x13: {  	v63 =	vld [tilespmem:s18+$0xFFFFFFC0];
	[tilespmem:s16+$0x1020 ss:$0x81] =	vst.msk $0xffff, v58  }
0x14: {  	[tilespmem:s16+$0x1830 ss:$0x81] =	vst.msk $0xffff, v59;
	s17 =	smul.u32 $0x190, s30  }
0x15: {  	s31 =	sshll.u32 s13, $0x4;
	[tilespmem:s16+$0x2040 ss:$0x81] =	vst.msk $0xffff, v60  }
0x16: {  	s13 =	sand.u32 $0x30, s31;
	[tilespmem:s16+$0x2850 ss:$0x81] =	vst.msk $0xffff, v61;
	s14 =	ssub.s32 s14, s17  }
0x17: {  	s13 =	sadd.s32 s3, s13;
	[tilespmem:s16+$0x3060 ss:$0x81] =	vst.msk $0xffff, v62;
	s14 =	sshll.u32 s14, $0x6  }
0x18: {  	[tilespmem:s16+$0x0 ss:$0x81] =	vst.msk $0xffff, v63;
	s13 =	sadd.s32 s14, s13  }
0x19: {  	[hbm4b:s13+s9] =	stream.strided.scatter [tilespmem:s15], [sflag:$0x2], $0x4000, s10, s9, $0x20;
	[tilespmem:$0x10100] =	vst v63  }
.LBB1_5:
0x1a: {  	s15 =	sadd.s32 $0x8, s11  }
0x1b: {  	p2 =	sgt.s32 s15, $0x18F  }
0x1c: {  	s15 =	smov.u32 @p2 s6;
	p2 =	sne.s32 s12, s8  }
.Ltmp1:
0x1d: {  	p1 =	slt.u32 s12, $0x2;
	(pc) =	sbr.rel @!p2 .LBB1_6-.Ltmp1, $4  }
0x1e: {  	s14 =	simm.s32 @!p1 $0x2  }
0x1f: {  	s16 =	sadd.s32 $0x1, s12;
	s13 =	smov.u32 s11;
	_ =	swait.ge @!p1 [sflag:s14], $0x4000  }
0x20: {  	p0 =	por !p0, !p0;
	s12 =	smov.u32 s16;
	[sflag:s14] =	ssyncset.done @!p1 $0x0  }
0x21: {  	s11 =	smov.u32 s15;
	[sflag:s14] =	ssyncadd.s32 @!p1 $0xFFFFC000;
	s14 =	smov.u32 s2  }
.LBB1_1:
0x22: {  	p1 =	sge.u32 s12, s5  }
0x23: {  	s15 =	sxor.u32 @!p1 $0xFFFFFFFF, s12  }
0x24: {  	s31 =	sadd.s32 $0xFFFFFFFF, s12;
	s16 =	sshll.u32 @!p1 s11, $0xD;
	s15 =	sshll.u32 @!p1 s15, $0xE  }
0x25: {  	s17 =	simm.s32 @!p1 $0x0;
	s16 =	sadd.s32 @!p1 s16, s7;
	s15 =	sand.u32 @!p1 $0x4000, s15  }
0x26: {  	[tilespmem:s15], [sflag:$0x1] =	stream.linear.gather @!p1 [hbm4b:s16+s17], $0x4000, $0x38;
	[tilespmem:$0x10100] =	vst v63  }
0x27: {  	p1 =	sge.u32 s31, s5  }
.Ltmp2:
0x28: {  	_ = 	snop;
	(pc) =	sbr.rel @p1 .LBB1_5-.Ltmp2, $1  }
0x29: {  	_ =	sdelay $0x3  }
0x2a: {  	s15 =	simm.s32 $0x1  }
0x2b: {  	_ =	swait.ge [sflag:s4], $0x4000;
	s15 =	simm.s32 @!p0 $0x0  }
0x2c: {  	[sflag:s4] =	ssyncset.done $0x0;
	s16 =	sshll.u32 s15, $0xE  }
0x2d: {  	[sflag:s4] =	ssyncadd.s32 $0xFFFFC000;
	s18 =	sor.u32 $0x40, s16  }
0x2e: {  	s15 =	smul.u32 $0x10200, s15;
	v0 =	vld [tilespmem:s18+$0x30]  }
0x2f: {  	v1 =	vld [tilespmem:s18+$0xFFFFFFD0]  }
0x30: {  	s15 =	sshrl.u32 s15, $0x2;
	v5 =	vld [tilespmem:s18+$0xFFFFFFE0]  }
0x31: {  	v6 =	vld [tilespmem:s18+$0xFFFFFFF0];
	s16 =	sor.u32 $0x8000, s15  }
0x32: {  	s31 =	sand.u32 $0x1, s12;
	v3 =	vld [tilespmem:s18+$0x0];
	s17 =	sadd.s32 $0x0, s16  }
0x33: {  	v4 =	vld [tilespmem:s18+$0x10];
	s15 =	smul.u32 $0x10200, s31;
	[tilespmem:s17+$0x3870 ss:$0x81] =	vst.msk $0xffff, v0  }
0x34: {  	v2 =	vld [tilespmem:s18+$0x20];
	[tilespmem:s17+$0x810 ss:$0x81] =	vst.msk $0xffff, v1  }
0x35: {  	s15 =	sshrl.u32 s15, $0x2;
	v0 =	vld [tilespmem:s18+$0xFFFFFFC0];
	[tilespmem:s17+$0x1020 ss:$0x81] =	vst.msk $0xffff, v5;
	s18 =	sadd.s32 $0x80, s18  }
0x36: {  	s19 =	simm.s32 $0x4;
	s20 =	simm.s32 $0x8;
	s15 =	sor.u32 $0x8000, s15;
	[tilespmem:s17+$0x1830 ss:$0x81] =	vst.msk $0xffff, v6;
	v1 =	vld [tilespmem:s18+$0x30]  }
.LBB1_3:
0x37: {  	p1 =	sne.s32 s20, $0x1FC;
	v5 =	vld [tilespmem:s18+$0xFFFFFFD0];
	[tilespmem:s17+$0x2040 ss:$0x81] =	vst.msk $0xffff, v3  }
0x38: {  	v6 =	vld [tilespmem:s18+$0xFFFFFFE0];
	[tilespmem:s17+$0x2850 ss:$0x81] =	vst.msk $0xffff, v4  }
0x39: {  	s21 =	sshra.s32 s19, $0x2;
	s19 =	smov.u32 s20;
	v7 =	vld [tilespmem:s18+$0xFFFFFFF0];
	[tilespmem:s17+$0x3060 ss:$0x81] =	vst.msk $0xffff, v2  }
.Ltmp3:
0x3a: {  	v3 =	vld [tilespmem:s18+$0x0];
	[tilespmem:s17+$0x0 ss:$0x81] =	vst.msk $0xffff, v0;
	s17 =	sadd.s32 s21, s16;
	(pc) =	sbr.rel @p1 .LBB1_3-.Ltmp3, $4  }
0x3b: {  	v4 =	vld [tilespmem:s18+$0x10];
	[tilespmem:s17+$0x3870 ss:$0x81] =	vst.msk $0xffff, v1  }
0x3c: {  	[tilespmem:s17+$0x810 ss:$0x81] =	vst.msk $0xffff, v5;
	v2 =	vld [tilespmem:s18+$0x20]  }
0x3d: {  	v0 =	vld [tilespmem:s18+$0xFFFFFFC0];
	[tilespmem:s17+$0x1020 ss:$0x81] =	vst.msk $0xffff, v6;
	s18 =	sadd.s32 $0x80, s18  }
0x3e: {  	s20 =	sadd.s32 $0x4, s20;
	v1 =	vld [tilespmem:s18+$0x30];
	[tilespmem:s17+$0x1830 ss:$0x81] =	vst.msk $0xffff, v7  }
.Ltmp4:
0x3f: {  	_ = 	snop;
	(pc) =	sbr.rel .LBB1_4-.Ltmp4, $1  }
0x40: {  	_ =	sdelay $0x3  }
.LBB1_6:
0x41: {  	_ =	sfence.sel $0x180000  }
0x42: {  	s2 =	simm.s32 $0x1;
	[bflag:$0x0] =	sbarrier.arrive $0xFFFF  }
0x43: {  	s31 =	simm.s32 $0x2;
	[sflag:s2] =	ssyncpa.u1 $0x1  }
0x44: {  	[sflag:s31] =	ssyncpa.u1 $0x1  }
0x45: {  	p0 =	sne.s32 s0, $0x0;
	_ =	strace $0x90000047  }
0x46: {  	s0 =	sadd.s32 @!p0 $0x100000, s1;
	[bflag:$0x2] =	sbarrier.arrive $0xFFFF  }
0x47: {  	[sflag:s0] =	ssyncadd.tile.s32 @!p0 $0x1;
	_ =	shalt  }
.Lfunc_end1:
_tile_overlayer_lowered:
.L_overlay_start_2:
0x48: {  	(tag) =	ssettag $0x2  }
0x49: {  	s0 =	rddreg [dreg:$0x0];
	s2 =	stileid.u32  }
0x4a: {  	s1 =	rddreg [dreg:$0x1];
	p0 =	sne.s32 s2, $0x0  }
0x4b: {  	s3 =	rddreg [dreg:$0x2];
	[bflag:$0x3] =	sbarrier.arrive $0xFFFF;
	s2 =	simm.s32 @!p0 $0x1C01  }
0x4c: {  	[timem:s3], [sflag:s2] =	dma.local @!p0 [hbm:s0], s1  }
0x4d: {  	s0 =	simm.s32 @!p0 $0x1  }
0x4e: {  	_ =	swait.ge @!p0 [sflag:s0], s1  }
0x4f: {  	s1 =	ssub.s32 @!p0 $0x0, s1;
	[sflag:s0] =	ssyncset.done @!p0 $0x0  }
0x50: {  	[sflag:s0] =	ssyncadd.s32 @!p0 s1  }
0x51: {  	[bflag:$0x3] =	sbarrier.arrive $0xFFFF  }
0x52: {  	_ =	shalt  }

// kernel: sparse-core-data-format-call.cloned.1.call-start
scs
called_computation_lowered:
.L_overlay_start_0:
0x0: {  	s2 =	sld [smem:$0x3FD9]  }
0x1: {  	s3 =	sld [smem:$0x3FFE];
	_ =	sdelay $0x1  }
0x2: {  	s1 =	srdreg.scid  }
0x3: {  	s0 =	sand.u32 $0x1, s1  }
0x4: {  	s15 =	sshll.u32 s0, $0xA;
	s2 =	sadd.s32 s3, s2  }
0x5: {  	s2 =	sadd.s32 s2, s15  }
0x6: {  	[smem:$0x3FC6] =	sst s2  }
0x7: {  	_ = 	snop  }
0x8: {  	s2 =	sld [smem:$0x3FD0];
	_ =	sdelay $0x2  }
0x9: {  	s16 =	simm.s32 $0xA;
	s4 =	simm.s32 $0x10  }
0xa: {  	[smem:s4], [sflag:s16] =	dma.local [hbm:s2], $0x1  }
0xb: {  	_ =	swait.eq [sflag:s16], $0x1  }
0xc: {  	[sflag:s16] =	ssyncset.done $0x0  }
0xd: {  	[sflag:s16] =	ssyncadd.s32 $0xFFFFFFFF  }
0xe: {  	s17 =	sld [smem:$0x11];
	(tm) =	ssettm $0x1  }
0xf: {  	s18 =	sld [smem:$0x3FFB];
	_ =	sdelay $0x3  }
0x10: {  	_ =	strace s18  }
0x11: {  	s3 =	sld [smem:$0x3FFC];
	_ =	sdelay $0x3  }
0x12: {  	_ =	strace s3  }
0x13: {  	s3 =	sld [smem:$0x3FFD];
	_ =	sdelay $0x3  }
0x14: {  	_ =	strace s3  }
0x15: {  	_ =	strace $0x8FFFFFFF  }
0x16: {  	s19 =	sld [smem:$0x3FDB];
	_ =	sdelay $0x1  }
0x17: {  	s20 =	simm.s32 $_scs_section_size  }
0x18: {  	s5 =	simm.s32 $_size__tile_overlayer_lowered;
	s6 =	simm.s32 $_tile_overlayer_lowered  }
0x19: {  	s23 =	simm.s32 $0x1BFF;
	s22 =	sshll.u32 s6, $0x1;
	s3 =	sadd.s32 s20, s19  }
0x1a: {  	s7 =	simm.s32 $0x0;
	s21 =	sshll.u32 s5, $0x1;
	s5 =	sadd.s32 s22, s3  }
0x1b: {  	[timem:s7], [sflag:s23] =	dma.local [hbm:s5], s21  }
0x1c: {  	_ =	swait.ge [sflag:s23], s21  }
0x1d: {  	s4 =	ssub.s32 $0x0, s21;
	[sflag:s23] =	ssyncset.done $0x0  }
0x1e: {  	[sflag:s23] =	ssyncadd.s32 s4;
	_ =	sdelay $0x1  }
0x1f: {  	s24 =	simm.s32 $0x1B8B  }
0x20: {  	_ =	swait.ge [sflag:s24], $0x1  }
0x21: {  	[sflag:s24] =	ssyncset.done $0x0  }
0x22: {  	s26 =	simm.s32 $0x1B8E;
	s25 =	sld [smem:$0x3FFE];
	[sflag:s24] =	ssyncadd.s32 $0xFFFFFFFF  }
0x23: {  	s27 =	simm.s32 $execute0_lowered;
	[smem:$0x3FD2] =	sst s26  }
0x24: {  	s5 =	sshll.u32 s27, $0x1;
	_ =	strace $0x80000049;
	[dreg:$0x1] =	wrdreg $0xFFFFFFFF  }
0x25: {  	s28 =	simm.s32 $_size_execute0_lowered;
	s3 =	sadd.s32 s3, s5;
	[dreg:$0x0] =	wrdreg $0x0  }
0x26: {  	s5 =	sshll.u32 s28, $0x1;
	[dreg:$0x2] =	wrdreg s3  }
0x27: {  	[dreg:$0x3] =	wrdreg s5  }
0x28: {  	[dreg:$0x4] =	wrdreg $0xC0  }
0x29: {  	_ =	task [dreg:s7], $0x5FFFF  }
0x2a: {  	[dreg:$0x1] =	wrdreg $0xFFFFFFFF  }
0x2b: {  	[dreg:$0x0] =	wrdreg $0x60  }
0x2c: {  	[dreg:$0x2] =	wrdreg s25  }
0x2d: {  	[dreg:$0x3] =	wrdreg s17  }
0x2e: {  	[dreg:$0x4] =	wrdreg $0x9  }
0x2f: {  	_ =	task.clear_ibuf [dreg:s7], $0x5FFFF;
	_ =	strace $0x90000049  }
0x30: {  	s29 =	simm.s32 $0x9;
	_ =	strace $0x8000004B  }
0x31: {  	_ =	swait.ge [sflag:s29], $0x1  }
0x32: {  	[sflag:s29] =	ssyncadd.s32 $0xFFFFFFFF  }
0x33: {  	_ =	strace $0x9000004B  }
0x34: {  	_ =	sfence  }
0x35: {  	s30 =	sld [smem:$0x0];
	_ =	sdelay $0x2  }
0x36: {  	s31 =	sshll.u32 s1, $0xD;
	s1 =	sshrl.u32 s1, $0x2  }
0x37: {  	s3 =	sand.u32 $0x4000, s31;
	s1 =	sadd.s32 s1, s30  }
0x38: {  	s0 =	sor.u32 s3, s0;
	s1 =	sshll.u32 s1, $0x11  }
0x39: {  	s0 =	sor.u32 s1, s0  }
0x3a: {  	s0 =	sadd.s32 $0x8F2B, s0  }
0x3b: {  	[sflag:s0] =	ssyncadd.remote.s32 $0x1  }
0x3c: {  	_ =	sfence.sel $0xFFFF  }
0x3d: {  	[dreg:$0x0] =	wrdreg $0xFFFFFFFF;
	(pc) =	sbr.abs _section_cstart, $3  }
0x3e: {  	[dreg:$0x1] =	wrdreg $0xFFFFFFFF  }
0x3f: {  	_ =	task.clear_ibuf [dreg:s7], $0x2FFFF;
	_ =	strace $0x9FFFFFFF  }
0x40: {  	(tm) =	ssettm $0x7FFFFFFF  }
0x41: {  	_ =	shalt  }
tec
execute0_lowered:
.L_overlay_start_1:
0x0: {  	(tag) =	ssettag $0x1  }
0x1: {  	s0 =	stileid.u32  }
0x2: {  	s2 =	srdreg.scid;
	s6 =	rddreg [dreg:$0x0];
	s8 =	simm.s32 $0x1  }
0x3: {  	s31 =	simm.s32 $0x2;
	s22 =	simm.s32 $0x0;
	s13 =	simm.s32 $0x1000  }
0x4: {  	s20 =	simm.s32 $0x0;
	s21 =	simm.s32 $0x0;
	s1 =	sshll.u32 s0, $0x7  }
0x5: {  	s19 =	simm.s32 $0x0;
	s3 =	sshll.u32 s2, $0x7;
	s1 =	sand.u32 $0x180, s1  }
0x6: {  	s15 =	simm.s32 $0x0;
	s3 =	sand.u32 $0x80, s3;
	s4 =	ssub.s32 $0x200, s1  }
0x7: {  	s7 =	ssub.s32 $0x200, s3;
	s5 =	sshrl.u32 s4, $0x9;
	s4 =	sand.u32 $0x180, s4  }
0x8: {  	s18 =	simm.s32 $0x0;
	s30 =	sshrl.u32 s7, $0x7;
	p0 =	sne.s32 s4, $0x0  }
0x9: {  	s7 =	sshrl.u32 s7, $0x8;
	s9 =	sand.u32 $0x1, s30;
	s8 =	simm.s32 @!p0 $0x0  }
0xa: {  	s2 =	rddreg [dreg:$0x1];
	s7 =	sadd.s32 s7, s9;
	s8 =	sadd.s32 s8, s5  }
0xb: {  	s6 =	sadd.s32 $0xC00, s6;
	s10 =	sadd.s32 $0x4000, s2;
	s8 =	smul.u32 s7, s8  }
.Ltmp0:
0xc: {  	s11 =	sadd.s32 $0x6000, s2;
	s14 =	smov.u32 s3;
	(pc) =	sbr.rel .LBB1_1-.Ltmp0, $4  }
0xd: {  	s17 =	smov.u32 s1;
	s4 =	rddreg [dreg:$0x2];
	_ =	strace $0x8000004A  }
0xe: {  	s9 =	sadd.s32 $0x2000, s2;
	s5 =	simm.s32 $0x1;
	s8 =	smul.u32 $0x19, s8  }
0xf: {  	p0 =	por $0x0, $0x0;
	[sflag:s5] =	ssyncpa.u1 $0x0;
	s7 =	sshrl.u32 s0, $0x2  }
0x10: {  	[sflag:s31] =	ssyncpa.u1 $0x0;
	s16 =	smov.u32 s7;
	s12 =	sadd.s32 $0x1, s8  }
.LBB1_4:
0x11: {  	v7 =	vshrl.u32 v7, $0x8  }
0x12: {  	v22 =	vshrl.u32 v10, $0x10;
	v32 =	vshrl.u32 v10, $0x8;
	v18 =	vand.u32 $0xFF, v18  }
0x13: {  	v13 =	vpack.c.b32.b16 v14, v13;
	v33 =	vpack.c.b32.b16 v19, v15;
	v34 =	vand.u32 $0xFF, v16  }
0x14: {  	v35 =	vand.u32 $0xFF, v21;
	v36 =	vand.u32 $0xFF, v20;
	v37 =	vand.u32 $0xFF, v17  }
0x15: {  	v6 =	vpack.c.b32.b16 v9, v6;
	v40 =	vpack.c.b32.b16 v12, v11;
	v41 =	vshrl.u32 v5, $0x10  }
0x16: {  	v42 =	vshrl.u32 v5, $0x8;
	v43 =	vshrl.u32 v3, $0x10;
	v44 =	vshrl.u32 v3, $0x8  }
0x17: {  	v45 =	vshrl.u32 v2, $0x10;
	v46 =	vshrl.u32 v2, $0x8;
	v47 =	vshrl.u32 v4, $0x10  }
0x18: {  	v48 =	vshrl.u32 v4, $0x8;
	v49 =	vand.u32 $0xFF, v5;
	v50 =	vand.u32 $0xFF, v3  }
0x19: {  	v51 =	vand.u32 $0xFF, v2;
	v52 =	vand.u32 $0xFF, v4;
	v53 =	vshrl.u32 v5, $0x18  }
0x1a: {  	v55 =	vshrl.u32 v3, $0x18;
	v59 =	vshrl.u32 v2, $0x18;
	v60 =	vshrl.u32 v4, $0x18  }
0x1b: {  	v0 =	vpack.c.b16.b8 v1, v0;
	v7 =	vand.u32 $0xFF, v7;
	v10 =	vand.u32 $0xFF, v32  }
0x1c: {  	v15 =	vpack.c.b32.b16 v35, v34;
	v38 =	vand.u32 $0xFF, v22;
	v39 =	vpack.c.b32.b16 v36, v18  }
0x1d: {  	v11 =	vand.u32 $0xFF, v41;
	v12 =	vand.u32 $0xFF, v42;
	v14 =	vand.u32 $0xFF, v43  }
0x1e: {  	[tilespmem:s25+$0x3060 ss:$0x81] =	vst.msk $0xffff, v8;
	v9 =	vand.u32 $0xFF, v45;
	v8 =	vpack.c.b32.b16 v50, v49;
	v54 =	vpack.c.b32.b16 v52, v51  }
0x1f: {  	s28 =	sshra.s32 s29, $0x2;
	v16 =	vand.u32 $0xFF, v46;
	v7 =	vpack.c.b32.b16 v10, v7;
	v13 =	vpack.c.b16.b8 v33, v13  }
0x20: {  	v17 =	vand.u32 $0xFF, v47;
	s24 =	sadd.s32 s28, s24;
	v10 =	vpack.c.b32.b16 v38, v37;
	[tilespmem:s26+$0x3060 ss:$0x81] =	vst.msk $0xffff, v0;
	v8 =	vpack.c.b16.b8 v54, v8  }
0x21: {  	s31 =	sshll.u32 s22, $0x9;
	v18 =	vand.u32 $0xFF, v48;
	v7 =	vpack.c.b16.b8 v7, v15;
	v15 =	vand.u32 $0xFF, v44;
	[tilespmem:s24+$0x810 ss:$0x81] =	vst.msk $0xffff, v13  }
0x22: {  	s29 =	sshll.u32 s19, $0x5;
	s30 =	sshll.u32 s22, $0x7;
	s21 =	smul.u32 $0xC8000, s21;
	v57 =	vpack.c.b32.b16 v18, v16;
	v10 =	vpack.c.b16.b8 v10, v39;
	v56 =	vpack.c.b32.b16 v15, v12;
	[tilespmem:s24+$0x0 ss:$0x81] =	vst.msk $0xffff, v8  }
0x23: {  	s20 =	sshll.u32 s20, $0xD;
	s25 =	sand.u32 $0x3C000, s31;
	s28 =	sand.u32 $0x3F000, s29;
	v6 =	vpack.c.b16.b8 v40, v6;
	v58 =	vpack.c.b32.b16 v14, v11;
	v9 =	vpack.c.b32.b16 v17, v9;
	[tilespmem:s24+$0x1830 ss:$0x81] =	vst.msk $0xffff, v7  }
0x24: {  	s22 =	sand.u32 $0xE00, s30;
	v3 =	vpack.c.b32.b16 v55, v53;
	v2 =	vpack.c.b32.b16 v60, v59;
	s31 =	sshrl.u32 s19, $0x3;
	s25 =	sadd.s32 s28, s25;
	[tilespmem:s24+$0x2850 ss:$0x81] =	vst.msk $0xffff, v10;
	v61 =	vpack.c.b16.b8 v57, v56  }
0x25: {  	s30 =	sand.u32 $0x7, s19;
	s29 =	sadd.s32 s21, s20;
	s22 =	sor.u32 s22, s25;
	v62 =	vpack.c.b16.b8 v9, v58;
	[tilespmem:s24+$0x3870 ss:$0x81] =	vst.msk $0xffff, v6  }
0x26: {  	v63 =	vpack.c.b16.b8 v2, v3;
	s25 =	sand.u32 $0xF, s31;
	s28 =	sadd.s32 s2, s29;
	s22 =	sshrl.u32 s22, $0x5;
	[tilespmem:s24+$0x1020 ss:$0x81] =	vst.msk $0xffff, v61  }
0x27: {  	s19 =	sshll.u32 s30, $0x12;
	s31 =	sadd.s32 s25, s28;
	s22 =	sand.u32 $0x1FF0, s22;
	[tilespmem:s24+$0x2040 ss:$0x81] =	vst.msk $0xffff, v62  }
0x28: {  	s19 =	sor.u32 $0x400, s19;
	s26 =	sadd.s32 s22, s31;
	[tilespmem:s24+$0x3060 ss:$0x81] =	vst.msk $0xffff, v63  }
0x29: {  	[hbm4b:s26+s19] =	stream.strided.scatter [tilespmem:s27], [sflag:$0x2], $0x1000, s13, s19, $0x20;
	[tilespmem:$0x10100] =	vst v63  }
0x2a: {  	s27 =	sadd.s32 s21, s9  }
0x2b: {  	s24 =	sadd.s32 s25, s27  }
0x2c: {  	s24 =	sadd.s32 s20, s24  }
0x2d: {  	s29 =	sadd.s32 s21, s10;
	s28 =	sadd.s32 $0x9020, s23;
	s24 =	sadd.s32 s22, s24  }
0x2e: {  	[hbm4b:s24+s19] =	stream.strided.scatter [tilespmem:s28], [sflag:$0x2], $0x1000, s13, s19, $0x20;
	[tilespmem:$0x10100] =	vst v63  }
0x2f: {  	s21 =	sadd.s32 s21, s11;
	s24 =	sadd.s32 s25, s29  }
0x30: {  	s21 =	sadd.s32 s25, s21;
	s24 =	sadd.s32 s20, s24  }
0x31: {  	s30 =	sadd.s32 $0xA040, s23;
	s20 =	sadd.s32 s20, s21;
	s24 =	sadd.s32 s22, s24  }
0x32: {  	[hbm4b:s24+s19] =	stream.strided.scatter [tilespmem:s30], [sflag:$0x2], $0x1000, s13, s19, $0x20;
	[tilespmem:$0x10100] =	vst v63  }
0x33: {  	s31 =	sadd.s32 $0xB060, s23;
	s20 =	sadd.s32 s22, s20  }
0x34: {  	[hbm4b:s20+s19] =	stream.strided.scatter [tilespmem:s31], [sflag:$0x2], $0x1000, s13, s19, $0x20;
	[tilespmem:$0x10100] =	vst v63  }
.LBB1_5:
0x35: {  	s23 =	sadd.s32 $0x100, s14  }
0x36: {  	s19 =	sadd.s32 $0x4, s15;
	s24 =	smov.u32 s15;
	p2 =	sgt.s32 s23, $0x1FF  }
0x37: {  	s24 =	smov.u32 @p2 s19  }
0x38: {  	s25 =	smov.u32 s16;
	s19 =	sadd.s32 $0x4, s16;
	p3 =	sgt.s32 s24, $0x63  }
0x39: {  	s25 =	smov.u32 @p3 s19  }
0x3a: {  	s26 =	smov.u32 s17;
	s19 =	sadd.s32 $0x200, s17;
	p4 =	sgt.s32 s25, $0x3  }
0x3b: {  	p1 =	slt.u32 s18, $0x2;
	s26 =	smov.u32 @p4 s19  }
0x3c: {  	s22 =	smov.u32 s14;
	s23 =	smov.u32 @p2 s3;
	p2 =	sgt.s32 s26, $0x1FF  }
0x3d: {  	s27 =	simm.s32 @!p1 $0x2;
	s26 =	smov.u32 @p2 s1;
	p2 =	sne.s32 s18, s12  }
.Ltmp1:
0x3e: {  	s20 =	smov.u32 s15;
	_ =	swait.ge @!p1 [sflag:s27], $0x4000;
	(pc) =	sbr.rel @!p2 .LBB1_6-.Ltmp1, $4  }
0x3f: {  	s21 =	smov.u32 s16;
	p0 =	por !p0, !p0;
	[sflag:s27] =	ssyncset.done @!p1 $0x0  }
0x40: {  	s14 =	smov.u32 s23;
	s24 =	simm.s32 @p3 $0x0;
	[sflag:s27] =	ssyncadd.s32 @!p1 $0xFFFFC000  }
0x41: {  	s15 =	smov.u32 s24;
	s25 =	smov.u32 @p4 s7;
	s19 =	smov.u32 s17  }
0x42: {  	s16 =	smov.u32 s25;
	s18 =	sadd.s32 $0x1, s18;
	s17 =	smov.u32 s26  }
.LBB1_1:
0x43: {  	p1 =	sge.u32 s18, s8  }
0x44: {  	s23 =	sshll.u32 @!p1 s15, $0x9;
	s24 =	sshll.u32 @!p1 s14, $0x3  }
0x45: {  	s25 =	sshll.u32 @!p1 s15, $0x7;
	s23 =	sand.u32 @!p1 $0xFFFFF000, s23;
	s24 =	sand.u32 @!p1 $0xFFFFFC00, s24  }
0x46: {  	s23 =	sadd.s32 @!p1 s23, s24;
	s24 =	sand.u32 @!p1 $0x200, s25  }
0x47: {  	s23 =	sor.u32 @!p1 s24, s23  }
0x48: {  	s23 =	sshrl.u32 @!p1 s23, $0x9  }
0x49: {  	s24 =	smulhi.u32 @!p1 $0x2762763, s23  }
0x4a: {  	s25 =	smul.u32 @!p1 $0x1A00, s17  }
0x4b: {  	s24 =	smul.u32 @!p1 $0x68, s24  }
0x4c: {  	s31 =	sadd.s32 $0xFFFFFFFF, s18;
	s26 =	smul.u32 @!p1 $0x680, s16  }
0x4d: {  	s25 =	sadd.s32 @!p1 s6, s25;
	s23 =	ssub.s32 @!p1 s23, s24;
	s24 =	sshrl.u32 @!p1 s14, $0x3  }
0x4e: {  	s27 =	sxor.u32 @!p1 $0xFFFFFFFF, s18;
	s25 =	sadd.s32 @!p1 s26, s25;
	s24 =	sand.u32 @!p1 $0xF, s24  }
0x4f: {  	s23 =	sshll.u32 @!p1 s23, $0x4;
	s24 =	sadd.s32 @!p1 s24, s25;
	s25 =	sand.u32 @!p1 $0x7, s14  }
0x50: {  	s23 =	sadd.s32 @!p1 s23, s24;
	s24 =	sshll.u32 @!p1 s27, $0xE;
	s25 =	sshll.u32 @!p1 s25, $0x12  }
0x51: {  	s26 =	simm.s32 @!p1 $0xD000;
	s24 =	sand.u32 @!p1 $0x4000, s24;
	s25 =	sor.u32 @!p1 $0x80, s25  }
0x52: {  	[tilespmem:s24], [sflag:$0x1] =	stream.strided.gather @!p1 [hbm4b:s23+s25], $0x4000, s26, s25, $0x38;
	[tilespmem:$0x10100] =	vst v63  }
0x53: {  	p1 =	sge.u32 s31, s8  }
.Ltmp2:
0x54: {  	_ = 	snop;
	(pc) =	sbr.rel @p1 .LBB1_5-.Ltmp2, $1  }
0x55: {  	_ =	sdelay $0x3  }
0x56: {  	s23 =	simm.s32 $0x1  }
0x57: {  	_ =	swait.ge [sflag:s5], $0x4000;
	s23 =	simm.s32 @!p0 $0x0  }
0x58: {  	[sflag:s5] =	ssyncset.done $0x0;
	s24 =	sshll.u32 s23, $0xE  }
0x59: {  	[sflag:s5] =	ssyncadd.s32 $0xFFFFC000;
	s24 =	sor.u32 $0x40, s24  }
0x5a: {  	v0 =	vld [tilespmem:s24+$0x0]  }
0x5b: {  	v1 =	vld [tilespmem:s24+$0x10]  }
0x5c: {  	v2 =	vld [tilespmem:s24+$0x20]  }
0x5d: {  	v3 =	vld [tilespmem:s24+$0x30];
	_ =	sdelay $0x2  }
0x5e: {  	v16 =	vld [tilespmem:s24+$0xFFFFFFE0];
	v4 =	vshrl.u32 v0, $0x18;
	v5 =	vand.u32 $0xFF, v0;
	v6 =	vshrl.u32 v1, $0x18  }
0x5f: {  	v7 =	vand.u32 $0xFF, v1;
	v8 =	vshrl.u32 v2, $0x18;
	v9 =	vand.u32 $0xFF, v2  }
0x60: {  	s26 =	sadd.s32 $0x80, s24;
	v10 =	vshrl.u32 v3, $0x18;
	v11 =	vshrl.u32 v0, $0x10;
	v0 =	vshrl.u32 v0, $0x8  }
0x61: {  	v21 =	vld [tilespmem:s26+$0x20];
	v12 =	vand.u32 $0xFF, v3;
	v13 =	vshrl.u32 v1, $0x10;
	v1 =	vshrl.u32 v1, $0x8  }
0x62: {  	v14 =	vshrl.u32 v2, $0x10;
	v2 =	vshrl.u32 v2, $0x8;
	v15 =	vshrl.u32 v3, $0x10  }
0x63: {  	v3 =	vshrl.u32 v3, $0x8;
	v20 =	vshrl.u32 v16, $0x18;
	v11 =	vand.u32 $0xFF, v11  }
0x64: {  	v5 =	vpack.c.b32.b16 v7, v5;
	v9 =	vpack.c.b32.b16 v12, v9;
	v0 =	vand.u32 $0xFF, v0  }
0x65: {  	v12 =	vand.u32 $0xFF, v13;
	v1 =	vand.u32 $0xFF, v1;
	v2 =	vand.u32 $0xFF, v2  }
0x66: {  	v7 =	vld [tilespmem:s24+$0xFFFFFFC0];
	v3 =	vand.u32 $0xFF, v3;
	v14 =	vand.u32 $0xFF, v14;
	v23 =	vshrl.u32 v21, $0x10  }
0x67: {  	v13 =	vld [tilespmem:s24+$0xFFFFFFD0];
	v0 =	vpack.c.b32.b16 v1, v0;
	v1 =	vpack.c.b32.b16 v3, v2;
	v3 =	vand.u32 $0xFF, v15  }
0x68: {  	v23 =	vand.u32 $0xFF, v23;
	v5 =	vpack.c.b16.b8 v9, v5;
	v9 =	vpack.c.b32.b16 v12, v11  }
0x69: {  	v3 =	vpack.c.b32.b16 v3, v14;
	v11 =	vshrl.u32 v16, $0x8;
	v0 =	vpack.c.b16.b8 v1, v0  }
0x6a: {  	v2 =	vld [tilespmem:s24+$0xFFFFFFF0];
	v1 =	vpack.c.b32.b16 v6, v4;
	v4 =	vpack.c.b32.b16 v10, v8;
	v11 =	vand.u32 $0xFF, v11  }
0x6b: {  	v3 =	vpack.c.b16.b8 v3, v9;
	v6 =	vshrl.u32 v7, $0x10;
	v8 =	vshrl.u32 v7, $0x8  }
0x6c: {  	v9 =	vshrl.u32 v13, $0x10;
	v10 =	vshrl.u32 v13, $0x8;
	v1 =	vpack.c.b16.b8 v4, v1  }
0x6d: {  	v19 =	vld [tilespmem:s26+$0x10];
	v4 =	vshrl.u32 v16, $0x10;
	v17 =	vshrl.u32 v7, $0x18;
	v7 =	vand.u32 $0xFF, v7  }
0x6e: {  	v18 =	vshrl.u32 v13, $0x18;
	v13 =	vand.u32 $0xFF, v13;
	v16 =	vand.u32 $0xFF, v16  }
0x6f: {  	v12 =	vshrl.u32 v2, $0x10;
	v6 =	vand.u32 $0xFF, v6;
	v8 =	vand.u32 $0xFF, v8  }
0x70: {  	v14 =	vshrl.u32 v2, $0x8;
	v9 =	vand.u32 $0xFF, v9;
	v10 =	vand.u32 $0xFF, v10  }
0x71: {  	v15 =	vld [tilespmem:s26+$0x0];
	v4 =	vand.u32 $0xFF, v4;
	v22 =	vand.u32 $0xFF, v2;
	v2 =	vshrl.u32 v2, $0x18  }
0x72: {  	v7 =	vpack.c.b32.b16 v13, v7;
	v13 =	vand.u32 $0xFF, v19;
	v12 =	vand.u32 $0xFF, v12  }
0x73: {  	v14 =	vand.u32 $0xFF, v14;
	v8 =	vpack.c.b32.b16 v10, v8;
	v6 =	vpack.c.b32.b16 v9, v6  }
0x74: {  	v9 =	vpack.c.b32.b16 v22, v16;
	v2 =	vpack.c.b32.b16 v2, v20;
	v16 =	vand.u32 $0xFF, v21  }
0x75: {  	v22 =	vshrl.u32 v19, $0x10;
	v11 =	vpack.c.b32.b16 v14, v11;
	v4 =	vpack.c.b32.b16 v12, v4  }
0x76: {  	v12 =	vpack.c.b32.b16 v18, v17;
	v14 =	vshrl.u32 v21, $0x18;
	v18 =	vshrl.u32 v15, $0x10  }
0x77: {  	v10 =	vld [tilespmem:s26+$0x30];
	v21 =	vshrl.u32 v21, $0x8;
	v22 =	vand.u32 $0xFF, v22;
	v7 =	vpack.c.b16.b8 v9, v7  }
0x78: {  	s23 =	smul.u32 $0x10200, s23;
	v9 =	vand.u32 $0xFF, v15;
	v21 =	vand.u32 $0xFF, v21;
	v18 =	vand.u32 $0xFF, v18  }
0x79: {  	v8 =	vpack.c.b16.b8 v11, v8;
	v4 =	vpack.c.b16.b8 v4, v6;
	v6 =	vshrl.u32 v15, $0x18  }
0x7a: {  	s23 =	sshrl.u32 s23, $0x2;
	v63 =	vld [tilespmem:s26+$0xFFFFFFF0];
	v11 =	vshrl.u32 v19, $0x18;
	v15 =	vshrl.u32 v15, $0x8;
	v19 =	vshrl.u32 v19, $0x8  }
0x7b: {  	s24 =	sor.u32 $0x8000, s23;
	v9 =	vpack.c.b32.b16 v13, v9;
	v15 =	vand.u32 $0xFF, v15;
	v19 =	vand.u32 $0xFF, v19  }
0x7c: {  	s25 =	sadd.s32 $0x0, s24;
	v13 =	vld [tilespmem:s26+$0xFFFFFFD0];
	v6 =	vpack.c.b32.b16 v11, v6;
	v17 =	vshrl.u32 v10, $0x18;
	v20 =	vand.u32 $0xFF, v10  }
0x7d: {  	[tilespmem:s25+$0x0 ss:$0x81] =	vst.msk $0xffff, v7;
	v24 =	vshrl.u32 v10, $0x8;
	v15 =	vpack.c.b32.b16 v19, v15;
	v10 =	vshrl.u32 v10, $0x10  }
0x7e: {  	v19 =	vld [tilespmem:s26+$0xFFFFFFE0];
	[tilespmem:s25+$0x1020 ss:$0x81] =	vst.msk $0xffff, v8;
	v16 =	vpack.c.b32.b16 v20, v16;
	v24 =	vand.u32 $0xFF, v24;
	v10 =	vand.u32 $0xFF, v10  }
0x7f: {  	v20 =	vld [tilespmem:s26+$0xFFFFFFC0];
	v11 =	vpack.c.b32.b16 v17, v14;
	[tilespmem:s25+$0x2040 ss:$0x81] =	vst.msk $0xffff, v4;
	v4 =	vand.u32 $0xFF, v63;
	v21 =	vpack.c.b32.b16 v24, v21  }
0x80: {  	v10 =	vpack.c.b32.b16 v10, v23;
	v9 =	vpack.c.b16.b8 v16, v9;
	v16 =	vpack.c.b32.b16 v22, v18  }
0x81: {  	v18 =	vshrl.u32 v13, $0x8;
	v11 =	vpack.c.b16.b8 v11, v6;
	v22 =	vshrl.u32 v63, $0x10  }
0x82: {  	s28 =	sadd.s32 $0x80, s26;
	v15 =	vpack.c.b16.b8 v21, v15;
	v16 =	vpack.c.b16.b8 v10, v16;
	v10 =	vshrl.u32 v13, $0x10  }
0x83: {  	[tilespmem:s25+$0x810 ss:$0x81] =	vst.msk $0xffff, v5;
	v7 =	vld [tilespmem:s28+$0x20];
	v6 =	vshrl.u32 v19, $0x10;
	v21 =	vshrl.u32 v19, $0x8;
	v25 =	vshrl.u32 v19, $0x18  }
0x84: {  	[tilespmem:s25+$0x1830 ss:$0x81] =	vst.msk $0xffff, v0;
	v19 =	vand.u32 $0xFF, v19;
	v14 =	vshrl.u32 v20, $0x10;
	v17 =	vshrl.u32 v20, $0x8  }
0x85: {  	[tilespmem:s25+$0x2850 ss:$0x81] =	vst.msk $0xffff, v3;
	v23 =	vld [tilespmem:s28+$0x10];
	v0 =	vand.u32 $0xFF, v10;
	v10 =	vand.u32 $0xFF, v18;
	v6 =	vand.u32 $0xFF, v6  }
0x86: {  	[tilespmem:s25+$0x3870 ss:$0x81] =	vst.msk $0xffff, v1;
	s26 =	sadd.s32 $0x1, s24;
	v3 =	vand.u32 $0xFF, v21;
	v18 =	vand.u32 $0xFF, v22;
	v1 =	vshrl.u32 v20, $0x18  }
0x87: {  	[tilespmem:s26+$0x810 ss:$0x81] =	vst.msk $0xffff, v9;
	v20 =	vand.u32 $0xFF, v20;
	v22 =	vshrl.u32 v13, $0x18;
	v13 =	vand.u32 $0xFF, v13  }
0x88: {  	v4 =	vpack.c.b32.b16 v4, v19;
	[tilespmem:s26+$0x1830 ss:$0x81] =	vst.msk $0xffff, v15;
	v15 =	vand.u32 $0xFF, v7;
	v5 =	vand.u32 $0xFF, v14  }
0x89: {  	v14 =	vand.u32 $0xFF, v17;
	v17 =	vshrl.u32 v63, $0x8;
	v6 =	vpack.c.b32.b16 v18, v6  }
0x8a: {  	v21 =	vld [tilespmem:s28+$0x0];
	v9 =	vpack.c.b32.b16 v13, v20;
	v20 =	vshrl.u32 v23, $0x10;
	v17 =	vand.u32 $0xFF, v17  }
0x8b: {  	[tilespmem:s26+$0x2850 ss:$0x81] =	vst.msk $0xffff, v16;
	v8 =	vpack.c.b32.b16 v10, v14;
	v14 =	vshrl.u32 v63, $0x18;
	v5 =	vpack.c.b32.b16 v0, v5  }
0x8c: {  	s31 =	sand.u32 $0x1, s18;
	v10 =	vld [tilespmem:s28+$0x30];
	v0 =	vpack.c.b32.b16 v22, v1;
	[tilespmem:s26+$0x3870 ss:$0x81] =	vst.msk $0xffff, v11;
	v11 =	vshrl.u32 v7, $0x18;
	v3 =	vpack.c.b32.b16 v17, v3  }
0x8d: {  	s23 =	smul.u32 $0x10200, s31;
	v1 =	vpack.c.b32.b16 v14, v25;
	v4 =	vpack.c.b16.b8 v4, v9;
	v9 =	vshrl.u32 v23, $0x18  }
0x8e: {  	v14 =	vand.u32 $0xFF, v23;
	v22 =	vpack.c.b16.b8 v6, v5;
	v5 =	vld [tilespmem:s28+$0xFFFFFFC0];
	v17 =	vpack.c.b16.b8 v3, v8  }
0x8f: {  	s23 =	sshrl.u32 s23, $0x2;
	v6 =	vshrl.u32 v21, $0x18;
	v8 =	vpack.c.b16.b8 v2, v12;
	v3 =	vld [tilespmem:s28+$0xFFFFFFD0];
	v13 =	vand.u32 $0xFF, v21;
	[tilespmem:s26+$0x0 ss:$0x81] =	vst.msk $0xffff, v4  }
0x90: {  	s30 =	simm.s32 $0xC;
	s27 =	sor.u32 $0x8000, s23;
	v2 =	vld [tilespmem:s28+$0xFFFFFFE0];
	v18 =	vshrl.u32 v21, $0x10;
	v16 =	vshrl.u32 v21, $0x8;
	v21 =	vshrl.u32 v23, $0x8;
	[tilespmem:s26+$0x1020 ss:$0x81] =	vst.msk $0xffff, v17  }
0x91: {  	s29 =	simm.s32 $0x8;
	v4 =	vld [tilespmem:s28+$0xFFFFFFF0];
	v12 =	vshrl.u32 v10, $0x18;
	v19 =	vand.u32 $0xFF, v10;
	v17 =	vshrl.u32 v7, $0x10;
	[tilespmem:s26+$0x2040 ss:$0x81] =	vst.msk $0xffff, v22  }
.LBB1_3:
0x92: {  	p1 =	sne.s32 s30, $0x1FC;
	v7 =	vshrl.u32 v7, $0x8;
	v22 =	vshrl.u32 v10, $0x10;
	v10 =	vshrl.u32 v10, $0x8;
	[tilespmem:s25+$0x3060 ss:$0x81] =	vst.msk $0xffff, v8;
	s25 =	smov.u32 s26  }
0x93: {  	v8 =	vand.u32 $0xFF, v18;
	v13 =	vpack.c.b32.b16 v14, v13;
	v14 =	vpack.c.b32.b16 v19, v15  }
0x94: {  	v15 =	vand.u32 $0xFF, v16;
	v16 =	vand.u32 $0xFF, v20;
	v18 =	vand.u32 $0xFF, v21  }
0x95: {  	v17 =	vand.u32 $0xFF, v17;
	v7 =	vand.u32 $0xFF, v7;
	v10 =	vand.u32 $0xFF, v10  }
0x96: {  	v19 =	vand.u32 $0xFF, v22;
	v15 =	vpack.c.b32.b16 v18, v15;
	v7 =	vpack.c.b32.b16 v10, v7  }
0x97: {  	s26 =	sshra.s32 s29, $0x2;
	s29 =	smov.u32 s30;
	v8 =	vpack.c.b32.b16 v16, v8;
	v10 =	vpack.c.b16.b8 v14, v13;
	v13 =	vpack.c.b32.b16 v19, v17  }
0x98: {  	v6 =	vpack.c.b32.b16 v9, v6;
	v9 =	vpack.c.b32.b16 v12, v11;
	s26 =	sadd.s32 s26, s24;
	v7 =	vpack.c.b16.b8 v7, v15  }
0x99: {  	v11 =	vshrl.u32 v5, $0x10;
	v12 =	vshrl.u32 v5, $0x8;
	v8 =	vpack.c.b16.b8 v13, v8;
	[tilespmem:s26+$0x810 ss:$0x81] =	vst.msk $0xffff, v10  }
0x9a: {  	v6 =	vpack.c.b16.b8 v9, v6;
	v13 =	vshrl.u32 v3, $0x8;
	v10 =	vshrl.u32 v3, $0x10;
	[tilespmem:s26+$0x1830 ss:$0x81] =	vst.msk $0xffff, v7  }
0x9b: {  	v9 =	vshrl.u32 v2, $0x8;
	v14 =	vshrl.u32 v4, $0x10;
	v7 =	vshrl.u32 v2, $0x10;
	[tilespmem:s26+$0x2850 ss:$0x81] =	vst.msk $0xffff, v8  }
0x9c: {  	v8 =	vand.u32 $0xFF, v11;
	v11 =	vand.u32 $0xFF, v12;
	v12 =	vshrl.u32 v4, $0x8;
	[tilespmem:s26+$0x3870 ss:$0x81] =	vst.msk $0xffff, v6  }
0x9d: {  	v6 =	vand.u32 $0xFF, v10;
	v10 =	vand.u32 $0xFF, v13;
	v13 =	vand.u32 $0xFF, v7  }
0x9e: {  	s28 =	sadd.s32 $0x80, s28;
	v9 =	vand.u32 $0xFF, v9;
	v14 =	vand.u32 $0xFF, v14;
	v12 =	vand.u32 $0xFF, v12  }
0x9f: {  	v17 =	vshrl.u32 v3, $0x18;
	v15 =	vshrl.u32 v5, $0x18;
	v5 =	vand.u32 $0xFF, v5;
	v16 =	vld [tilespmem:s28+$0x0]  }
0xa0: {  	v18 =	vand.u32 $0xFF, v3;
	v19 =	vshrl.u32 v2, $0x18;
	v2 =	vand.u32 $0xFF, v2;
	v21 =	vld [tilespmem:s28+$0x10]  }
0xa1: {  	v20 =	vshrl.u32 v4, $0x18;
	v4 =	vand.u32 $0xFF, v4;
	v11 =	vpack.c.b32.b16 v10, v11;
	v7 =	vld [tilespmem:s28+$0x20]  }
0xa2: {  	v9 =	vpack.c.b32.b16 v12, v9;
	v6 =	vpack.c.b32.b16 v6, v8;
	v8 =	vpack.c.b32.b16 v14, v13;
	v10 =	vld [tilespmem:s28+$0x30]  }
0xa3: {  	v5 =	vpack.c.b32.b16 v18, v5;
	v12 =	vpack.c.b32.b16 v4, v2;
	v13 =	vpack.c.b32.b16 v17, v15;
	v3 =	vld [tilespmem:s28+$0xFFFFFFD0]  }
0xa4: {  	v17 =	vpack.c.b16.b8 v9, v11;
	v22 =	vpack.c.b16.b8 v8, v6;
	v11 =	vpack.c.b32.b16 v20, v19;
	v2 =	vld [tilespmem:s28+$0xFFFFFFE0]  }
.Ltmp3:
0xa5: {  	v18 =	vpack.c.b16.b8 v12, v5;
	v8 =	vpack.c.b16.b8 v1, v0;
	v0 =	vmovc v13;
	v6 =	vshrl.u32 v16, $0x18;
	v4 =	vld [tilespmem:s28+$0xFFFFFFF0];
	(pc) =	sbr.rel @p1 .LBB1_3-.Ltmp3, $4  }
0xa6: {  	v1 =	vmovc v11;
	v13 =	vand.u32 $0xFF, v16;
	v9 =	vshrl.u32 v21, $0x18;
	v14 =	vand.u32 $0xFF, v21;
	v5 =	vld [tilespmem:s28+$0xFFFFFFC0]  }
0xa7: {  	v11 =	vshrl.u32 v7, $0x18;
	v15 =	vand.u32 $0xFF, v7;
	v12 =	vshrl.u32 v10, $0x18;
	[tilespmem:s26+$0x0 ss:$0x81] =	vst.msk $0xffff, v18  }
0xa8: {  	v18 =	vshrl.u32 v16, $0x10;
	v16 =	vshrl.u32 v16, $0x8;
	v19 =	vand.u32 $0xFF, v10;
	[tilespmem:s26+$0x1020 ss:$0x81] =	vst.msk $0xffff, v17  }
0xa9: {  	s30 =	sadd.s32 $0x4, s30;
	v20 =	vshrl.u32 v21, $0x10;
	v21 =	vshrl.u32 v21, $0x8;
	v17 =	vshrl.u32 v7, $0x10;
	[tilespmem:s26+$0x2040 ss:$0x81] =	vst.msk $0xffff, v22  }
.Ltmp4:
0xaa: {  	_ = 	snop;
	(pc) =	sbr.rel .LBB1_4-.Ltmp4, $1  }
0xab: {  	_ =	sdelay $0x3  }
.LBB1_6:
0xac: {  	_ =	sfence.sel $0x180000  }
0xad: {  	s1 =	simm.s32 $0x1;
	[bflag:$0x0] =	sbarrier.arrive $0xFFFF  }
0xae: {  	s31 =	simm.s32 $0x2;
	[sflag:s1] =	ssyncpa.u1 $0x1  }
0xaf: {  	[sflag:s31] =	ssyncpa.u1 $0x1  }
0xb0: {  	p0 =	sne.s32 s0, $0x0;
	_ =	strace $0x9000004A  }
0xb1: {  	s0 =	sadd.s32 @!p0 $0x100000, s4;
	[bflag:$0x2] =	sbarrier.arrive $0xFFFF  }
0xb2: {  	[sflag:s0] =	ssyncadd.tile.s32 @!p0 $0x1;
	_ =	shalt  }
.Lfunc_end1:
_tile_overlayer_lowered:
.L_overlay_start_2:
0xb3: {  	(tag) =	ssettag $0x2  }
0xb4: {  	s0 =	rddreg [dreg:$0x0];
	s2 =	stileid.u32  }
0xb5: {  	s1 =	rddreg [dreg:$0x1];
	p0 =	sne.s32 s2, $0x0  }
0xb6: {  	s3 =	rddreg [dreg:$0x2];
	[bflag:$0x3] =	sbarrier.arrive $0xFFFF;
	s2 =	simm.s32 @!p0 $0x1C01  }
0xb7: {  	[timem:s3], [sflag:s2] =	dma.local @!p0 [hbm:s0], s1  }
0xb8: {  	s0 =	simm.s32 @!p0 $0x1  }
0xb9: {  	_ =	swait.ge @!p0 [sflag:s0], s1  }
0xba: {  	s1 =	ssub.s32 @!p0 $0x0, s1;
	[sflag:s0] =	ssyncset.done @!p0 $0x0  }
0xbb: {  	[sflag:s0] =	ssyncadd.s32 @!p0 s1  }
0xbc: {  	[bflag:$0x3] =	sbarrier.arrive $0xFFFF  }
0xbd: {  	_ =	shalt  }

</sc_bundles>
